<compile_context>
chip_gen: v7x
topology: tpu7x:2x2x1
jax: 0.10.2.dev20260603
libtpu: 0.0.44.dev20260713+nightly
codegen_flags: <defaults>
</compile_context>

<pallas_src>
import jax
import jax.numpy as jnp
from jax import lax
from jax.experimental import pallas as pl
from jax.experimental.pallas import tpu as pltpu
from jax.experimental.pallas import tpu_sc as plsc

N = 1271
D = 768
NP = 1280
NC = 2
NS = 16
CH = 3200
EP = NC * NS * CH
IDX_W = 128
N_STREAMS = CH // IDX_W
SLICE = NP * NP // NS
ZCH = 12800
NEG = -3.0e38


def _sc_counts_body(row_hbm, col_hbm, out_hbm,
                    a_sh, row_v, col_v, idx_v, ones_v, zero_v, sem, sem2):
    cid = lax.axis_index("c")
    sid = lax.axis_index("s")

    zeros16 = jnp.zeros((16,), jnp.float32)
    ones16 = jnp.ones((16,), jnp.float32)

    def fill_zero(i, _):
        zero_v[pl.ds(i * 16, 16)] = zeros16
        return 0
    lax.fori_loop(0, ZCH // 16, fill_zero, 0)
    for k in range(IDX_W // 16):
        ones_v[pl.ds(k * 16, 16)] = ones16

    zdescs = [
        pltpu.async_copy(zero_v, a_sh.at[pl.ds(sid * SLICE + k * ZCH, ZCH)],
                         sem2)
        for k in range(SLICE // ZCH)
    ]
    base = cid * (NS * CH) + sid * CH
    edescs = [pltpu.async_copy(row_hbm.at[pl.ds(base, CH)], row_v, sem),
              pltpu.async_copy(col_hbm.at[pl.ds(base, CH)], col_v, sem)]
    for d in edescs:
        d.wait()

    def compute_idx(j, _):
        for k in range(8):
            off = j * IDX_W + k * 16
            r = row_v[pl.ds(off, 16)]
            c = col_v[pl.ds(off, 16)]
            t = r >> 7
            idx_v[j, pl.ds(k * 16, 16)] = (
                (t << 17) + (t << 15) + (c << 7) + (r & 127))
        return 0
    lax.fori_loop(0, N_STREAMS, compute_idx, 0)

    for d in zdescs:
        d.wait()
    plsc.subcore_barrier()

    descs = []
    for j in range(N_STREAMS):
        descs.append(
            pltpu.async_copy(ones_v, a_sh.at[idx_v.at[j]], sem, add=True))
    for d in descs:
        d.wait()
    plsc.subcore_barrier()

    pltpu.sync_copy(a_sh.at[pl.ds(sid * SLICE, SLICE)],
                    out_hbm.at[cid, pl.ds(sid * SLICE, SLICE)])


@jax.jit
def _sc_counts(row, col):
    mesh = plsc.VectorSubcoreMesh(
        core_axis_name="c", subcore_axis_name="s",
        num_cores=NC, num_subcores=NS)
    return pl.kernel(
        _sc_counts_body,
        out_type=jax.ShapeDtypeStruct((NC, NP * NP), jnp.float32),
        mesh=mesh,
        scratch_types=[
            pltpu.VMEM_SHARED((NP * NP,), jnp.float32),
            pltpu.VMEM((CH,), jnp.int32),
            pltpu.VMEM((CH,), jnp.int32),
            pltpu.VMEM((N_STREAMS, IDX_W), jnp.int32),
            pltpu.VMEM((IDX_W,), jnp.float32),
            pltpu.VMEM((ZCH,), jnp.float32),
            pltpu.SemaphoreType.DMA,
            pltpu.SemaphoreType.DMA,
        ],
    )(row, col)


def _tc_evolve_body(x_ref, s_ref, wih_ref, whh_ref, bih_ref, bhh_ref,
                    w0_ref, o_ref, xt_s, r_s, z_s):
    g = pl.program_id(0)
    w0 = w0_ref[...]

    @pl.when(g == 0)
    def _():
        xp = jnp.concatenate(
            [x_ref[...], jnp.zeros((NP - N, D), jnp.float32)], axis=0)
        s_col = jnp.concatenate(
            [s_ref[...], jnp.full((NP - N, 1), NEG, jnp.float32)], axis=0)

        ir = lax.broadcasted_iota(jnp.int32, (NP, NP), 0)
        ic = lax.broadcasted_iota(jnp.int32, (NP, NP), 1)
        s_row = lax.transpose(s_col, (1, 0))

        g1 = jnp.broadcast_to(s_col, (NP, NP))
        g2 = jnp.broadcast_to(s_row, (NP, NP))
        beats = (g1 > g2) | ((g1 == g2) & (ir < ic))
        rank_row = jnp.sum(beats.astype(jnp.float32), axis=0, keepdims=True)

        sel_r = lax.broadcasted_iota(jnp.int32, (D, NP), 0)
        rank_i = rank_row.astype(jnp.int32)
        gate = jnp.broadcast_to(jnp.tanh(s_row), (D, NP))
        p_mat = jnp.where(sel_r == jnp.broadcast_to(rank_i, (D, NP)),
                          gate, 0.0)
        xt_s[...] = jnp.dot(p_mat, xp, preferred_element_type=jnp.float32)

    gi_g = lax.dot_general(xt_s[...], wih_ref[...], (((1,), (1,)), ((), ())),
                           preferred_element_type=jnp.float32) + bih_ref[...]
    gh_g = lax.dot_general(w0, whh_ref[...], (((1,), (1,)), ((), ())),
                           preferred_element_type=jnp.float32) + bhh_ref[...]

    @pl.when(g == 0)
    def _():
        r_s[...] = jax.nn.sigmoid(gi_g + gh_g)

    @pl.when(g == 1)
    def _():
        z_s[...] = jax.nn.sigmoid(gi_g + gh_g)

    @pl.when(g == 2)
    def _():
        n = jnp.tanh(gi_g + r_s[...] * gh_g)
        z = z_s[...]
        w_new = (1.0 - z) * n + z * w0
        xp = jnp.concatenate(
            [x_ref[...], jnp.zeros((NP - N, D), jnp.float32)], axis=0)
        o_ref[...] = jnp.dot(xp, w_new, preferred_element_type=jnp.float32)


@jax.jit
def _tc_evolve(x, s_col, w_ih, w_hh, b_ih, b_hh, w0):
    return pl.pallas_call(
        _tc_evolve_body,
        grid=(3,),
        in_specs=[
            pl.BlockSpec((N, D), lambda g: (0, 0)),
            pl.BlockSpec((N, 1), lambda g: (0, 0)),
            pl.BlockSpec((D, D), lambda g: (g, 0)),
            pl.BlockSpec((D, D), lambda g: (g, 0)),
            pl.BlockSpec((1, D), lambda g: (0, g)),
            pl.BlockSpec((1, D), lambda g: (0, g)),
            pl.BlockSpec((D, D), lambda g: (0, 0)),
        ],
        out_specs=pl.BlockSpec((NP, D), lambda g: (0, 0)),
        out_shape=jax.ShapeDtypeStruct((NP, D), jnp.float32),
        scratch_shapes=[
            pltpu.VMEM((D, D), jnp.float32),
            pltpu.VMEM((D, D), jnp.float32),
            pltpu.VMEM((D, D), jnp.float32),
        ],
    )(x, s_col, w_ih, w_hh, b_ih, b_hh, w0)


def _tc_aggregate_body(b_ref, x_ref, o_ref):
    ir = lax.broadcasted_iota(jnp.int32, (NP, 128), 0)
    ic = lax.broadcasted_iota(jnp.int32, (NP, 128), 1)
    nblk = NP // 128
    blocks = []
    deg = jnp.zeros((NP, 1), jnp.float32)
    for b in range(nblk):
        vb = (b_ref[0, b * NP:(b + 1) * NP, :]
              + b_ref[1, b * NP:(b + 1) * NP, :]
              + ((ic + 128 * b) == ir).astype(jnp.float32))
        blocks.append(vb)
        deg = deg + jnp.sum(vb, axis=1, keepdims=True)
    dis = lax.rsqrt(deg)
    xs = x_ref[...] * dis
    y = jnp.dot(blocks[0], xs[0:128, :], preferred_element_type=jnp.float32)
    for b in range(1, nblk):
        y = y + jnp.dot(blocks[b], xs[b * 128:(b + 1) * 128, :],
                        preferred_element_type=jnp.float32)
    o_ref[...] = (y * dis)[:N, :]


@jax.jit
def _tc_aggregate(b2, x):
    return pl.pallas_call(
        _tc_aggregate_body,
        out_shape=jax.ShapeDtypeStruct((N, D), jnp.float32),
    )(b2, x)


def kernel(X, edge_index, p, W_ih, W_hh, b_ih, b_hh, W0):
    npad = EP - edge_index.shape[1]
    row = jnp.concatenate(
        [edge_index[0], jnp.arange(npad, dtype=jnp.int32) % NP])
    col = jnp.concatenate(
        [edge_index[1], jnp.full((npad,), NP - 1, dtype=jnp.int32)])

    score = (X @ p) / (jnp.linalg.norm(p) + 1e-16)

    b2 = _sc_counts(row, col)
    x = _tc_evolve(X, score.reshape(N, 1), W_ih, W_hh,
                   b_ih.reshape(1, 3 * D), b_hh.reshape(1, 3 * D), W0)
    return _tc_aggregate(b2.reshape(NC, NP * NP // 128, 128), x)

# --- scband reference (transcript-rebuilt; emitter-appended) ---
"""Pipeline reference for scband-evolve-gcn-88768384074112 (READ-ONLY COPY).

The authoritative reference and input builder live on the scoring server;
editing this copy changes nothing except your own understanding.
"""

import jax, jax.numpy as jnp
import numpy as np

N = 1271
D = 768
E = 100000
K = 768  # ceil((D/N) * N) == D, required so GRU batch dims match


def setup_inputs(seed: int = 0) -> dict:
    key = jax.random.key(seed)
    ks = jax.random.split(key, 8)
    X = jax.random.normal(ks[0], (N, D), dtype=jnp.float32)
    edge_index = jax.random.randint(ks[1], (2, E), 0, N, dtype=jnp.int32)
    # TopKPooling projection vector
    p = jax.random.normal(ks[2], (D,), dtype=jnp.float32) * 0.05
    # GRU parameters (input_size=D, hidden_size=D, 1 layer)
    W_ih = jax.random.normal(ks[3], (3 * D, D), dtype=jnp.float32) * 0.02
    W_hh = jax.random.normal(ks[4], (3 * D, D), dtype=jnp.float32) * 0.02
    b_ih = jnp.zeros((3 * D,), dtype=jnp.float32)
    b_hh = jnp.zeros((3 * D,), dtype=jnp.float32)
    # initial evolving GCN weight (glorot)
    lim = float(np.sqrt(6.0 / (D + D)))
    W0 = jax.random.uniform(ks[5], (D, D), dtype=jnp.float32, minval=-lim, maxval=lim)
    return {"X": X, "edge_index": edge_index, "p": p, "W_ih": W_ih, "W_hh": W_hh, "b_ih": b_ih, "b_hh": b_hh, "W0": W0}


def reference(X, edge_index, p, W_ih, W_hh, b_ih, b_hh, W0):
    # ---- TopKPooling: score = X.p / ||p||, take top K nodes, gate by tanh(score) ----
    score = (X @ p) / (jnp.linalg.norm(p) + 1e-16)
    vals, perm = jax.lax.top_k(score, K)
    X_tilde = X[perm] * jnp.tanh(vals)[:, None]  # [K, D], K == D

    # ---- GRU single step: input X_tilde (batch K, feat D), hidden h = W0 (batch D, feat D) ----
    gi = X_tilde @ W_ih.T + b_ih
    gh = W0 @ W_hh.T + b_hh
    i_r, i_z, i_n = jnp.split(gi, 3, axis=1)
    h_r, h_z, h_n = jnp.split(gh, 3, axis=1)
    r = jax.nn.sigmoid(i_r + h_r)
    z = jax.nn.sigmoid(i_z + h_z)
    n = jnp.tanh(i_n + r * h_n)
    W = (1.0 - z) * n + z * W0  # evolved weight [D, D]

    # ---- GCNConv with fixed (evolved) W ----
    x = X @ W
    # add self loops (fill value 1, improved=False)
    sl = jnp.arange(N, dtype=edge_index.dtype)
    row = jnp.concatenate([edge_index[0], sl])
    col = jnp.concatenate([edge_index[1], sl])
    ew = jnp.ones(row.shape[0], dtype=jnp.float32)
    # symmetric normalization: deg over dst (col)
    deg = jnp.zeros((N,), dtype=jnp.float32).at[col].add(ew)
    dis = jnp.where(deg > 0, deg ** -0.5, 0.0)
    norm = dis[row] * ew * dis[col]
    # message passing: out[col] += norm * x[row]
    out = jnp.zeros((N, D), dtype=jnp.float32).at[col].add(norm[:, None] * x[row])
    return out

if __name__ == "__main__":
    import jax
    _d = setup_inputs()
    print(jax.jit(kernel)(*tuple(_d.values())))

</pallas_src>

<mosaic_0001>
#map = affine_map<(d0, d1) -> (0)>
#map1 = affine_map<(d0, d1) -> (0, 0)>
module attributes {stable_mosaic.version = 14 : i64} {
  func.func @_sc_counts_body(%arg0: i32, %arg1: i32, %arg2: memref<102400xi32, #tpu.memory_space<hbm>>, %arg3: memref<102400xi32, #tpu.memory_space<hbm>>, %arg4: memref<2x1638400xf32, #tpu.memory_space<hbm>>, %arg5: memref<1638400xf32, #tpu.memory_space<vmem_shared>>, %arg6: memref<3200xi32, #tpu.memory_space<vmem>>, %arg7: memref<3200xi32, #tpu.memory_space<vmem>>, %arg8: memref<25x128xi32, #tpu.memory_space<vmem>>, %arg9: memref<128xf32, #tpu.memory_space<vmem>>, %arg10: memref<12800xf32, #tpu.memory_space<vmem>>, %arg11: memref<!tpu.dma_semaphore, #tpu.memory_space<semaphore_mem>>, %arg12: memref<!tpu.dma_semaphore, #tpu.memory_space<semaphore_mem>>) attributes {dimension_semantics = [#tpu.dimension_semantics<core_parallel>, #tpu.dimension_semantics<subcore_parallel>], iteration_bounds = array<i64: 2, 16>, scalar_prefetch = 0 : i64, scratch_operands = 8 : i64, tpu.core_type = #tpu.core_type<sc_vector_subcore>, window_params = [{transform_indices = #map}, {transform_indices = #map}, {transform_indices = #map1}]} {
    %broadcast_in_dim3A = arith.constant 0.000000e+00 : f32
    %broadcast_in_dim3A_0 = vector.broadcast %broadcast_in_dim3A : f32 to vector<16xf32>
    %broadcast_in_dim3A_1 = arith.constant 1.000000e+00 : f32
    %broadcast_in_dim3A_2 = vector.broadcast %broadcast_in_dim3A_1 : f32 to vector<16xf32>
    %scan3A = arith.constant 0 : i32
    %scan3A_3 = arith.constant 0 : i32
    %scan3A_4 = arith.constant 800 : i32
    %scan3A_5 = arith.addi %scan3A_3, %scan3A_4 : i32
    %scan3A_6 = arith.constant 1 : i32
    %scan3A_7 = scf.for %scan3A_425 = %scan3A_3 to %scan3A_5 step %scan3A_6 iter_args(%scan3A_426 = %scan3A) -> (i32)  : i32 {
      %mul3A_427 = arith.constant 16 : i32
      %mul3A_428 = arith.muli %scan3A_425, %mul3A_427 : i32
      %swap3A_429 = arith.index_cast %mul3A_428 : i32 to index
      %swap3A_430 = tpu.vector_load %arg10[%swap3A_429] {strides = array<i32>} : memref<12800xf32, #tpu.memory_space<vmem>>, vector<16xf32>,
      %swap3A_431 = vector.shape_cast %swap3A_430 : vector<16xf32> to vector<16xf32>
      %swap3A_432 = vector.shape_cast %broadcast_in_dim3A_0 : vector<16xf32> to vector<16xf32>
      tpu.vector_store %arg10[%swap3A_429], %swap3A_432 {strides = array<i32>} : memref<12800xf32, #tpu.memory_space<vmem>>, vector<16xf32>,
      %scan3A_433 = arith.constant 0 : i32
      scf.yield %scan3A_433 : i32
    }
    %scan3A_8 = arith.constant 800 : i32
    %swap3A = arith.constant 0 : index
    %swap3A_9 = tpu.vector_load %arg9[%swap3A] {strides = array<i32>} : memref<128xf32, #tpu.memory_space<vmem>>, vector<16xf32>,
    %swap3A_10 = vector.shape_cast %swap3A_9 : vector<16xf32> to vector<16xf32>
    %swap3A_11 = vector.shape_cast %broadcast_in_dim3A_2 : vector<16xf32> to vector<16xf32>
    tpu.vector_store %arg9[%swap3A], %swap3A_11 {strides = array<i32>} : memref<128xf32, #tpu.memory_space<vmem>>, vector<16xf32>,
    %swap3A_12 = arith.constant 16 : index
    %swap3A_13 = tpu.vector_load %arg9[%swap3A_12] {strides = array<i32>} : memref<128xf32, #tpu.memory_space<vmem>>, vector<16xf32>,
    %swap3A_14 = vector.shape_cast %swap3A_13 : vector<16xf32> to vector<16xf32>
    %swap3A_15 = vector.shape_cast %broadcast_in_dim3A_2 : vector<16xf32> to vector<16xf32>
    tpu.vector_store %arg9[%swap3A_12], %swap3A_15 {strides = array<i32>} : memref<128xf32, #tpu.memory_space<vmem>>, vector<16xf32>,
    %swap3A_16 = arith.constant 32 : index
    %swap3A_17 = tpu.vector_load %arg9[%swap3A_16] {strides = array<i32>} : memref<128xf32, #tpu.memory_space<vmem>>, vector<16xf32>,
    %swap3A_18 = vector.shape_cast %swap3A_17 : vector<16xf32> to vector<16xf32>
    %swap3A_19 = vector.shape_cast %broadcast_in_dim3A_2 : vector<16xf32> to vector<16xf32>
    tpu.vector_store %arg9[%swap3A_16], %swap3A_19 {strides = array<i32>} : memref<128xf32, #tpu.memory_space<vmem>>, vector<16xf32>,
    %swap3A_20 = arith.constant 48 : index
    %swap3A_21 = tpu.vector_load %arg9[%swap3A_20] {strides = array<i32>} : memref<128xf32, #tpu.memory_space<vmem>>, vector<16xf32>,
    %swap3A_22 = vector.shape_cast %swap3A_21 : vector<16xf32> to vector<16xf32>
    %swap3A_23 = vector.shape_cast %broadcast_in_dim3A_2 : vector<16xf32> to vector<16xf32>
    tpu.vector_store %arg9[%swap3A_20], %swap3A_23 {strides = array<i32>} : memref<128xf32, #tpu.memory_space<vmem>>, vector<16xf32>,
    %swap3A_24 = arith.constant 64 : index
    %swap3A_25 = tpu.vector_load %arg9[%swap3A_24] {strides = array<i32>} : memref<128xf32, #tpu.memory_space<vmem>>, vector<16xf32>,
    %swap3A_26 = vector.shape_cast %swap3A_25 : vector<16xf32> to vector<16xf32>
    %swap3A_27 = vector.shape_cast %broadcast_in_dim3A_2 : vector<16xf32> to vector<16xf32>
    tpu.vector_store %arg9[%swap3A_24], %swap3A_27 {strides = array<i32>} : memref<128xf32, #tpu.memory_space<vmem>>, vector<16xf32>,
    %swap3A_28 = arith.constant 80 : index
    %swap3A_29 = tpu.vector_load %arg9[%swap3A_28] {strides = array<i32>} : memref<128xf32, #tpu.memory_space<vmem>>, vector<16xf32>,
    %swap3A_30 = vector.shape_cast %swap3A_29 : vector<16xf32> to vector<16xf32>
    %swap3A_31 = vector.shape_cast %broadcast_in_dim3A_2 : vector<16xf32> to vector<16xf32>
    tpu.vector_store %arg9[%swap3A_28], %swap3A_31 {strides = array<i32>} : memref<128xf32, #tpu.memory_space<vmem>>, vector<16xf32>,
    %swap3A_32 = arith.constant 96 : index
    %swap3A_33 = tpu.vector_load %arg9[%swap3A_32] {strides = array<i32>} : memref<128xf32, #tpu.memory_space<vmem>>, vector<16xf32>,
    %swap3A_34 = vector.shape_cast %swap3A_33 : vector<16xf32> to vector<16xf32>
    %swap3A_35 = vector.shape_cast %broadcast_in_dim3A_2 : vector<16xf32> to vector<16xf32>
    tpu.vector_store %arg9[%swap3A_32], %swap3A_35 {strides = array<i32>} : memref<128xf32, #tpu.memory_space<vmem>>, vector<16xf32>,
    %swap3A_36 = arith.constant 112 : index
    %swap3A_37 = tpu.vector_load %arg9[%swap3A_36] {strides = array<i32>} : memref<128xf32, #tpu.memory_space<vmem>>, vector<16xf32>,
    %swap3A_38 = vector.shape_cast %swap3A_37 : vector<16xf32> to vector<16xf32>
    %swap3A_39 = vector.shape_cast %broadcast_in_dim3A_2 : vector<16xf32> to vector<16xf32>
    tpu.vector_store %arg9[%swap3A_36], %swap3A_39 {strides = array<i32>} : memref<128xf32, #tpu.memory_space<vmem>>, vector<16xf32>,
    %mul3A = arith.constant 102400 : i32
    %mul3A_40 = arith.muli %arg1, %mul3A : i32
    %add3A = arith.constant 0 : i32
    %add3A_41 = arith.addi %mul3A_40, %add3A : i32
    %dma_start3A = tpu.memref_slice %arg5[%add3A_41] : memref<1638400xf32, #tpu.memory_space<vmem_shared>> -> memref<12800xf32, #tpu.memory_space<vmem_shared>>
    %dma_start3A_42 = tpu.memref_slice %arg5[%add3A_41] : memref<1638400xf32, #tpu.memory_space<vmem_shared>> -> memref<12800xf32, #tpu.memory_space<vmem_shared>>
    tpu.enqueue_dma source(%arg10 : memref<12800xf32, #tpu.memory_space<vmem>>) target(%dma_start3A_42 : memref<12800xf32, #tpu.memory_space<vmem_shared>>) target_semaphore(%arg12 : memref<!tpu.dma_semaphore, #tpu.memory_space<semaphore_mem>>)
    %mul3A_43 = arith.constant 102400 : i32
    %mul3A_44 = arith.muli %arg1, %mul3A_43 : i32
    %add3A_45 = arith.constant 12800 : i32
    %add3A_46 = arith.addi %mul3A_44, %add3A_45 : i32
    %dma_start3A_47 = tpu.memref_slice %arg5[%add3A_46] : memref<1638400xf32, #tpu.memory_space<vmem_shared>> -> memref<12800xf32, #tpu.memory_space<vmem_shared>>
    %dma_start3A_48 = tpu.memref_slice %arg5[%add3A_46] : memref<1638400xf32, #tpu.memory_space<vmem_shared>> -> memref<12800xf32, #tpu.memory_space<vmem_shared>>
    tpu.enqueue_dma source(%arg10 : memref<12800xf32, #tpu.memory_space<vmem>>) target(%dma_start3A_48 : memref<12800xf32, #tpu.memory_space<vmem_shared>>) target_semaphore(%arg12 : memref<!tpu.dma_semaphore, #tpu.memory_space<semaphore_mem>>)
    %mul3A_49 = arith.constant 102400 : i32
    %mul3A_50 = arith.muli %arg1, %mul3A_49 : i32
    %add3A_51 = arith.constant 25600 : i32
    %add3A_52 = arith.addi %mul3A_50, %add3A_51 : i32
    %dma_start3A_53 = tpu.memref_slice %arg5[%add3A_52] : memref<1638400xf32, #tpu.memory_space<vmem_shared>> -> memref<12800xf32, #tpu.memory_space<vmem_shared>>
    %dma_start3A_54 = tpu.memref_slice %arg5[%add3A_52] : memref<1638400xf32, #tpu.memory_space<vmem_shared>> -> memref<12800xf32, #tpu.memory_space<vmem_shared>>
    tpu.enqueue_dma source(%arg10 : memref<12800xf32, #tpu.memory_space<vmem>>) target(%dma_start3A_54 : memref<12800xf32, #tpu.memory_space<vmem_shared>>) target_semaphore(%arg12 : memref<!tpu.dma_semaphore, #tpu.memory_space<semaphore_mem>>)
    %mul3A_55 = arith.constant 102400 : i32
    %mul3A_56 = arith.muli %arg1, %mul3A_55 : i32
    %add3A_57 = arith.constant 38400 : i32
    %add3A_58 = arith.addi %mul3A_56, %add3A_57 : i32
    %dma_start3A_59 = tpu.memref_slice %arg5[%add3A_58] : memref<1638400xf32, #tpu.memory_space<vmem_shared>> -> memref<12800xf32, #tpu.memory_space<vmem_shared>>
    %dma_start3A_60 = tpu.memref_slice %arg5[%add3A_58] : memref<1638400xf32, #tpu.memory_space<vmem_shared>> -> memref<12800xf32, #tpu.memory_space<vmem_shared>>
    tpu.enqueue_dma source(%arg10 : memref<12800xf32, #tpu.memory_space<vmem>>) target(%dma_start3A_60 : memref<12800xf32, #tpu.memory_space<vmem_shared>>) target_semaphore(%arg12 : memref<!tpu.dma_semaphore, #tpu.memory_space<semaphore_mem>>)
    %mul3A_61 = arith.constant 102400 : i32
    %mul3A_62 = arith.muli %arg1, %mul3A_61 : i32
    %add3A_63 = arith.constant 51200 : i32
    %add3A_64 = arith.addi %mul3A_62, %add3A_63 : i32
    %dma_start3A_65 = tpu.memref_slice %arg5[%add3A_64] : memref<1638400xf32, #tpu.memory_space<vmem_shared>> -> memref<12800xf32, #tpu.memory_space<vmem_shared>>
    %dma_start3A_66 = tpu.memref_slice %arg5[%add3A_64] : memref<1638400xf32, #tpu.memory_space<vmem_shared>> -> memref<12800xf32, #tpu.memory_space<vmem_shared>>
    tpu.enqueue_dma source(%arg10 : memref<12800xf32, #tpu.memory_space<vmem>>) target(%dma_start3A_66 : memref<12800xf32, #tpu.memory_space<vmem_shared>>) target_semaphore(%arg12 : memref<!tpu.dma_semaphore, #tpu.memory_space<semaphore_mem>>)
    %mul3A_67 = arith.constant 102400 : i32
    %mul3A_68 = arith.muli %arg1, %mul3A_67 : i32
    %add3A_69 = arith.constant 64000 : i32
    %add3A_70 = arith.addi %mul3A_68, %add3A_69 : i32
    %dma_start3A_71 = tpu.memref_slice %arg5[%add3A_70] : memref<1638400xf32, #tpu.memory_space<vmem_shared>> -> memref<12800xf32, #tpu.memory_space<vmem_shared>>
    %dma_start3A_72 = tpu.memref_slice %arg5[%add3A_70] : memref<1638400xf32, #tpu.memory_space<vmem_shared>> -> memref<12800xf32, #tpu.memory_space<vmem_shared>>
    tpu.enqueue_dma source(%arg10 : memref<12800xf32, #tpu.memory_space<vmem>>) target(%dma_start3A_72 : memref<12800xf32, #tpu.memory_space<vmem_shared>>) target_semaphore(%arg12 : memref<!tpu.dma_semaphore, #tpu.memory_space<semaphore_mem>>)
    %mul3A_73 = arith.constant 102400 : i32
    %mul3A_74 = arith.muli %arg1, %mul3A_73 : i32
    %add3A_75 = arith.constant 76800 : i32
    %add3A_76 = arith.addi %mul3A_74, %add3A_75 : i32
    %dma_start3A_77 = tpu.memref_slice %arg5[%add3A_76] : memref<1638400xf32, #tpu.memory_space<vmem_shared>> -> memref<12800xf32, #tpu.memory_space<vmem_shared>>
    %dma_start3A_78 = tpu.memref_slice %arg5[%add3A_76] : memref<1638400xf32, #tpu.memory_space<vmem_shared>> -> memref<12800xf32, #tpu.memory_space<vmem_shared>>
    tpu.enqueue_dma source(%arg10 : memref<12800xf32, #tpu.memory_space<vmem>>) target(%dma_start3A_78 : memref<12800xf32, #tpu.memory_space<vmem_shared>>) target_semaphore(%arg12 : memref<!tpu.dma_semaphore, #tpu.memory_space<semaphore_mem>>)
    %mul3A_79 = arith.constant 102400 : i32
    %mul3A_80 = arith.muli %arg1, %mul3A_79 : i32
    %add3A_81 = arith.constant 89600 : i32
    %add3A_82 = arith.addi %mul3A_80, %add3A_81 : i32
    %dma_start3A_83 = tpu.memref_slice %arg5[%add3A_82] : memref<1638400xf32, #tpu.memory_space<vmem_shared>> -> memref<12800xf32, #tpu.memory_space<vmem_shared>>
    %dma_start3A_84 = tpu.memref_slice %arg5[%add3A_82] : memref<1638400xf32, #tpu.memory_space<vmem_shared>> -> memref<12800xf32, #tpu.memory_space<vmem_shared>>
    tpu.enqueue_dma source(%arg10 : memref<12800xf32, #tpu.memory_space<vmem>>) target(%dma_start3A_84 : memref<12800xf32, #tpu.memory_space<vmem_shared>>) target_semaphore(%arg12 : memref<!tpu.dma_semaphore, #tpu.memory_space<semaphore_mem>>)
    %mul3A_85 = arith.constant 51200 : i32
    %mul3A_86 = arith.muli %arg0, %mul3A_85 : i32
    %mul3A_87 = arith.constant 3200 : i32
    %mul3A_88 = arith.muli %arg1, %mul3A_87 : i32
    %add3A_89 = arith.addi %mul3A_86, %mul3A_88 : i32
    %dma_start3A_90 = tpu.memref_slice %arg2[%add3A_89] : memref<102400xi32, #tpu.memory_space<hbm>> -> memref<3200xi32, #tpu.memory_space<hbm>>
    %dma_start3A_91 = tpu.memref_slice %arg2[%add3A_89] : memref<102400xi32, #tpu.memory_space<hbm>> -> memref<3200xi32, #tpu.memory_space<hbm>>
    tpu.enqueue_dma source(%dma_start3A_91 : memref<3200xi32, #tpu.memory_space<hbm>>) target(%arg6 : memref<3200xi32, #tpu.memory_space<vmem>>) target_semaphore(%arg11 : memref<!tpu.dma_semaphore, #tpu.memory_space<semaphore_mem>>)
    %dma_start3A_92 = tpu.memref_slice %arg3[%add3A_89] : memref<102400xi32, #tpu.memory_space<hbm>> -> memref<3200xi32, #tpu.memory_space<hbm>>
    %dma_start3A_93 = tpu.memref_slice %arg3[%add3A_89] : memref<102400xi32, #tpu.memory_space<hbm>> -> memref<3200xi32, #tpu.memory_space<hbm>>
    tpu.enqueue_dma source(%dma_start3A_93 : memref<3200xi32, #tpu.memory_space<hbm>>) target(%arg7 : memref<3200xi32, #tpu.memory_space<vmem>>) target_semaphore(%arg11 : memref<!tpu.dma_semaphore, #tpu.memory_space<semaphore_mem>>)
    %dma_wait3A = tpu.memref_slice %arg2[%add3A_89] : memref<102400xi32, #tpu.memory_space<hbm>> -> memref<3200xi32, #tpu.memory_space<hbm>>
    %dma_wait3A_94 = tpu.memref_slice %arg2[%add3A_89] : memref<102400xi32, #tpu.memory_space<hbm>> -> memref<3200xi32, #tpu.memory_space<hbm>>
    tpu.wait_dma2 semaphore(%arg11 : memref<!tpu.dma_semaphore, #tpu.memory_space<semaphore_mem>>) src(%dma_wait3A_94 : memref<3200xi32, #tpu.memory_space<hbm>>) dst(%arg6 : memref<3200xi32, #tpu.memory_space<vmem>>)
    %dma_wait3A_95 = tpu.memref_slice %arg3[%add3A_89] : memref<102400xi32, #tpu.memory_space<hbm>> -> memref<3200xi32, #tpu.memory_space<hbm>>
    %dma_wait3A_96 = tpu.memref_slice %arg3[%add3A_89] : memref<102400xi32, #tpu.memory_space<hbm>> -> memref<3200xi32, #tpu.memory_space<hbm>>
    tpu.wait_dma2 semaphore(%arg11 : memref<!tpu.dma_semaphore, #tpu.memory_space<semaphore_mem>>) src(%dma_wait3A_96 : memref<3200xi32, #tpu.memory_space<hbm>>) dst(%arg7 : memref<3200xi32, #tpu.memory_space<vmem>>)
    %scan3A_97 = arith.constant 0 : i32
    %scan3A_98 = arith.constant 0 : i32
    %scan3A_99 = arith.constant 25 : i32
    %scan3A_100 = arith.addi %scan3A_98, %scan3A_99 : i32
    %scan3A_101 = arith.constant 1 : i32
    %scan3A_102 = scf.for %scan3A_425 = %scan3A_98 to %scan3A_100 step %scan3A_101 iter_args(%scan3A_426 = %scan3A_97) -> (i32)  : i32 {
      %mul3A_427 = arith.constant 128 : i32
      %mul3A_428 = arith.muli %scan3A_425, %mul3A_427 : i32
      %add3A_429 = arith.constant 0 : i32
      %add3A_430 = arith.addi %mul3A_428, %add3A_429 : i32
      %get3A = arith.index_cast %add3A_430 : i32 to index
      %get3A_431 = tpu.vector_load %arg6[%get3A] {strides = array<i32>} : memref<3200xi32, #tpu.memory_space<vmem>>, vector<16xi32>,
      %get3A_432 = vector.shape_cast %get3A_431 : vector<16xi32> to vector<16xi32>
      %get3A_433 = arith.index_cast %add3A_430 : i32 to index
      %get3A_434 = tpu.vector_load %arg7[%get3A_433] {strides = array<i32>} : memref<3200xi32, #tpu.memory_space<vmem>>, vector<16xi32>,
      %get3A_435 = vector.shape_cast %get3A_434 : vector<16xi32> to vector<16xi32>
      %shift_right_arithmetic3A = arith.constant 7 : i32
      %shift_right_arithmetic3A_436 = vector.broadcast %shift_right_arithmetic3A : i32 to vector<16xi32>
      %shift_right_arithmetic3A_437 = arith.shrsi %get3A_432, %shift_right_arithmetic3A_436 : vector<16xi32>
      %shift_left3A = arith.constant 17 : i32
      %shift_left3A_438 = vector.broadcast %shift_left3A : i32 to vector<16xi32>
      %shift_left3A_439 = arith.shli %shift_right_arithmetic3A_437, %shift_left3A_438 : vector<16xi32>
      %shift_left3A_440 = arith.constant 15 : i32
      %shift_left3A_441 = vector.broadcast %shift_left3A_440 : i32 to vector<16xi32>
      %shift_left3A_442 = arith.shli %shift_right_arithmetic3A_437, %shift_left3A_441 : vector<16xi32>
      %add3A_443 = arith.addi %shift_left3A_439, %shift_left3A_442 : vector<16xi32>
      %shift_left3A_444 = arith.constant 7 : i32
      %shift_left3A_445 = vector.broadcast %shift_left3A_444 : i32 to vector<16xi32>
      %shift_left3A_446 = arith.shli %get3A_435, %shift_left3A_445 : vector<16xi32>
      %add3A_447 = arith.addi %add3A_443, %shift_left3A_446 : vector<16xi32>
      %and3A = arith.constant 127 : i32
      %and3A_448 = vector.broadcast %and3A : i32 to vector<16xi32>
      %and3A_449 = arith.andi %get3A_432, %and3A_448 : vector<16xi32>
      %add3A_450 = arith.addi %add3A_447, %and3A_449 : vector<16xi32>
      %swap3A_451 = arith.index_cast %scan3A_425 : i32 to index
      %swap3A_452 = arith.constant 0 : index
      %swap3A_453 = tpu.vector_load %arg8[%swap3A_451, %swap3A_452] {strides = array<i32>} : memref<25x128xi32, #tpu.memory_space<vmem>>, vector<1x16xi32>,
      %swap3A_454 = vector.shape_cast %swap3A_453 : vector<1x16xi32> to vector<16xi32>
      %swap3A_455 = vector.shape_cast %add3A_450 : vector<16xi32> to vector<1x16xi32>
      tpu.vector_store %arg8[%swap3A_451, %swap3A_452], %swap3A_455 {strides = array<i32>} : memref<25x128xi32, #tpu.memory_space<vmem>>, vector<1x16xi32>,
      %mul3A_456 = arith.constant 128 : i32
      %mul3A_457 = arith.muli %scan3A_425, %mul3A_456 : i32
      %add3A_458 = arith.constant 16 : i32
      %add3A_459 = arith.addi %mul3A_457, %add3A_458 : i32
      %get3A_460 = arith.index_cast %add3A_459 : i32 to index
      %get3A_461 = tpu.vector_load %arg6[%get3A_460] {strides = array<i32>} : memref<3200xi32, #tpu.memory_space<vmem>>, vector<16xi32>,
      %get3A_462 = vector.shape_cast %get3A_461 : vector<16xi32> to vector<16xi32>
      %get3A_463 = arith.index_cast %add3A_459 : i32 to index
      %get3A_464 = tpu.vector_load %arg7[%get3A_463] {strides = array<i32>} : memref<3200xi32, #tpu.memory_space<vmem>>, vector<16xi32>,
      %get3A_465 = vector.shape_cast %get3A_464 : vector<16xi32> to vector<16xi32>
      %shift_right_arithmetic3A_466 = arith.constant 7 : i32
      %shift_right_arithmetic3A_467 = vector.broadcast %shift_right_arithmetic3A_466 : i32 to vector<16xi32>
      %shift_right_arithmetic3A_468 = arith.shrsi %get3A_462, %shift_right_arithmetic3A_467 : vector<16xi32>
      %shift_left3A_469 = arith.constant 17 : i32
      %shift_left3A_470 = vector.broadcast %shift_left3A_469 : i32 to vector<16xi32>
      %shift_left3A_471 = arith.shli %shift_right_arithmetic3A_468, %shift_left3A_470 : vector<16xi32>
      %shift_left3A_472 = arith.constant 15 : i32
      %shift_left3A_473 = vector.broadcast %shift_left3A_472 : i32 to vector<16xi32>
      %shift_left3A_474 = arith.shli %shift_right_arithmetic3A_468, %shift_left3A_473 : vector<16xi32>
      %add3A_475 = arith.addi %shift_left3A_471, %shift_left3A_474 : vector<16xi32>
      %shift_left3A_476 = arith.constant 7 : i32
      %shift_left3A_477 = vector.broadcast %shift_left3A_476 : i32 to vector<16xi32>
      %shift_left3A_478 = arith.shli %get3A_465, %shift_left3A_477 : vector<16xi32>
      %add3A_479 = arith.addi %add3A_475, %shift_left3A_478 : vector<16xi32>
      %and3A_480 = arith.constant 127 : i32
      %and3A_481 = vector.broadcast %and3A_480 : i32 to vector<16xi32>
      %and3A_482 = arith.andi %get3A_462, %and3A_481 : vector<16xi32>
      %add3A_483 = arith.addi %add3A_479, %and3A_482 : vector<16xi32>
      %swap3A_484 = arith.index_cast %scan3A_425 : i32 to index
      %swap3A_485 = arith.constant 16 : index
      %swap3A_486 = tpu.vector_load %arg8[%swap3A_484, %swap3A_485] {strides = array<i32>} : memref<25x128xi32, #tpu.memory_space<vmem>>, vector<1x16xi32>,
      %swap3A_487 = vector.shape_cast %swap3A_486 : vector<1x16xi32> to vector<16xi32>
      %swap3A_488 = vector.shape_cast %add3A_483 : vector<16xi32> to vector<1x16xi32>
      tpu.vector_store %arg8[%swap3A_484, %swap3A_485], %swap3A_488 {strides = array<i32>} : memref<25x128xi32, #tpu.memory_space<vmem>>, vector<1x16xi32>,
      %mul3A_489 = arith.constant 128 : i32
      %mul3A_490 = arith.muli %scan3A_425, %mul3A_489 : i32
      %add3A_491 = arith.constant 32 : i32
      %add3A_492 = arith.addi %mul3A_490, %add3A_491 : i32
      %get3A_493 = arith.index_cast %add3A_492 : i32 to index
      %get3A_494 = tpu.vector_load %arg6[%get3A_493] {strides = array<i32>} : memref<3200xi32, #tpu.memory_space<vmem>>, vector<16xi32>,
      %get3A_495 = vector.shape_cast %get3A_494 : vector<16xi32> to vector<16xi32>
      %get3A_496 = arith.index_cast %add3A_492 : i32 to index
      %get3A_497 = tpu.vector_load %arg7[%get3A_496] {strides = array<i32>} : memref<3200xi32, #tpu.memory_space<vmem>>, vector<16xi32>,
      %get3A_498 = vector.shape_cast %get3A_497 : vector<16xi32> to vector<16xi32>
      %shift_right_arithmetic3A_499 = arith.constant 7 : i32
      %shift_right_arithmetic3A_500 = vector.broadcast %shift_right_arithmetic3A_499 : i32 to vector<16xi32>
      %shift_right_arithmetic3A_501 = arith.shrsi %get3A_495, %shift_right_arithmetic3A_500 : vector<16xi32>
      %shift_left3A_502 = arith.constant 17 : i32
      %shift_left3A_503 = vector.broadcast %shift_left3A_502 : i32 to vector<16xi32>
      %shift_left3A_504 = arith.shli %shift_right_arithmetic3A_501, %shift_left3A_503 : vector<16xi32>
      %shift_left3A_505 = arith.constant 15 : i32
      %shift_left3A_506 = vector.broadcast %shift_left3A_505 : i32 to vector<16xi32>
      %shift_left3A_507 = arith.shli %shift_right_arithmetic3A_501, %shift_left3A_506 : vector<16xi32>
      %add3A_508 = arith.addi %shift_left3A_504, %shift_left3A_507 : vector<16xi32>
      %shift_left3A_509 = arith.constant 7 : i32
      %shift_left3A_510 = vector.broadcast %shift_left3A_509 : i32 to vector<16xi32>
      %shift_left3A_511 = arith.shli %get3A_498, %shift_left3A_510 : vector<16xi32>
      %add3A_512 = arith.addi %add3A_508, %shift_left3A_511 : vector<16xi32>
      %and3A_513 = arith.constant 127 : i32
      %and3A_514 = vector.broadcast %and3A_513 : i32 to vector<16xi32>
      %and3A_515 = arith.andi %get3A_495, %and3A_514 : vector<16xi32>
      %add3A_516 = arith.addi %add3A_512, %and3A_515 : vector<16xi32>
      %swap3A_517 = arith.index_cast %scan3A_425 : i32 to index
      %swap3A_518 = arith.constant 32 : index
      %swap3A_519 = tpu.vector_load %arg8[%swap3A_517, %swap3A_518] {strides = array<i32>} : memref<25x128xi32, #tpu.memory_space<vmem>>, vector<1x16xi32>,
      %swap3A_520 = vector.shape_cast %swap3A_519 : vector<1x16xi32> to vector<16xi32>
      %swap3A_521 = vector.shape_cast %add3A_516 : vector<16xi32> to vector<1x16xi32>
      tpu.vector_store %arg8[%swap3A_517, %swap3A_518], %swap3A_521 {strides = array<i32>} : memref<25x128xi32, #tpu.memory_space<vmem>>, vector<1x16xi32>,
      %mul3A_522 = arith.constant 128 : i32
      %mul3A_523 = arith.muli %scan3A_425, %mul3A_522 : i32
      %add3A_524 = arith.constant 48 : i32
      %add3A_525 = arith.addi %mul3A_523, %add3A_524 : i32
      %get3A_526 = arith.index_cast %add3A_525 : i32 to index
      %get3A_527 = tpu.vector_load %arg6[%get3A_526] {strides = array<i32>} : memref<3200xi32, #tpu.memory_space<vmem>>, vector<16xi32>,
      %get3A_528 = vector.shape_cast %get3A_527 : vector<16xi32> to vector<16xi32>
      %get3A_529 = arith.index_cast %add3A_525 : i32 to index
      %get3A_530 = tpu.vector_load %arg7[%get3A_529] {strides = array<i32>} : memref<3200xi32, #tpu.memory_space<vmem>>, vector<16xi32>,
      %get3A_531 = vector.shape_cast %get3A_530 : vector<16xi32> to vector<16xi32>
      %shift_right_arithmetic3A_532 = arith.constant 7 : i32
      %shift_right_arithmetic3A_533 = vector.broadcast %shift_right_arithmetic3A_532 : i32 to vector<16xi32>
      %shift_right_arithmetic3A_534 = arith.shrsi %get3A_528, %shift_right_arithmetic3A_533 : vector<16xi32>
      %shift_left3A_535 = arith.constant 17 : i32
      %shift_left3A_536 = vector.broadcast %shift_left3A_535 : i32 to vector<16xi32>
      %shift_left3A_537 = arith.shli %shift_right_arithmetic3A_534, %shift_left3A_536 : vector<16xi32>
      %shift_left3A_538 = arith.constant 15 : i32
      %shift_left3A_539 = vector.broadcast %shift_left3A_538 : i32 to vector<16xi32>
      %shift_left3A_540 = arith.shli %shift_right_arithmetic3A_534, %shift_left3A_539 : vector<16xi32>
      %add3A_541 = arith.addi %shift_left3A_537, %shift_left3A_540 : vector<16xi32>
      %shift_left3A_542 = arith.constant 7 : i32
      %shift_left3A_543 = vector.broadcast %shift_left3A_542 : i32 to vector<16xi32>
      %shift_left3A_544 = arith.shli %get3A_531, %shift_left3A_543 : vector<16xi32>
      %add3A_545 = arith.addi %add3A_541, %shift_left3A_544 : vector<16xi32>
      %and3A_546 = arith.constant 127 : i32
      %and3A_547 = vector.broadcast %and3A_546 : i32 to vector<16xi32>
      %and3A_548 = arith.andi %get3A_528, %and3A_547 : vector<16xi32>
      %add3A_549 = arith.addi %add3A_545, %and3A_548 : vector<16xi32>
      %swap3A_550 = arith.index_cast %scan3A_425 : i32 to index
      %swap3A_551 = arith.constant 48 : index
      %swap3A_552 = tpu.vector_load %arg8[%swap3A_550, %swap3A_551] {strides = array<i32>} : memref<25x128xi32, #tpu.memory_space<vmem>>, vector<1x16xi32>,
      %swap3A_553 = vector.shape_cast %swap3A_552 : vector<1x16xi32> to vector<16xi32>
      %swap3A_554 = vector.shape_cast %add3A_549 : vector<16xi32> to vector<1x16xi32>
      tpu.vector_store %arg8[%swap3A_550, %swap3A_551], %swap3A_554 {strides = array<i32>} : memref<25x128xi32, #tpu.memory_space<vmem>>, vector<1x16xi32>,
      %mul3A_555 = arith.constant 128 : i32
      %mul3A_556 = arith.muli %scan3A_425, %mul3A_555 : i32
      %add3A_557 = arith.constant 64 : i32
      %add3A_558 = arith.addi %mul3A_556, %add3A_557 : i32
      %get3A_559 = arith.index_cast %add3A_558 : i32 to index
      %get3A_560 = tpu.vector_load %arg6[%get3A_559] {strides = array<i32>} : memref<3200xi32, #tpu.memory_space<vmem>>, vector<16xi32>,
      %get3A_561 = vector.shape_cast %get3A_560 : vector<16xi32> to vector<16xi32>
      %get3A_562 = arith.index_cast %add3A_558 : i32 to index
      %get3A_563 = tpu.vector_load %arg7[%get3A_562] {strides = array<i32>} : memref<3200xi32, #tpu.memory_space<vmem>>, vector<16xi32>,
      %get3A_564 = vector.shape_cast %get3A_563 : vector<16xi32> to vector<16xi32>
      %shift_right_arithmetic3A_565 = arith.constant 7 : i32
      %shift_right_arithmetic3A_566 = vector.broadcast %shift_right_arithmetic3A_565 : i32 to vector<16xi32>
      %shift_right_arithmetic3A_567 = arith.shrsi %get3A_561, %shift_right_arithmetic3A_566 : vector<16xi32>
      %shift_left3A_568 = arith.constant 17 : i32
      %shift_left3A_569 = vector.broadcast %shift_left3A_568 : i32 to vector<16xi32>
      %shift_left3A_570 = arith.shli %shift_right_arithmetic3A_567, %shift_left3A_569 : vector<16xi32>
      %shift_left3A_571 = arith.constant 15 : i32
      %shift_left3A_572 = vector.broadcast %shift_left3A_571 : i32 to vector<16xi32>
      %shift_left3A_573 = arith.shli %shift_right_arithmetic3A_567, %shift_left3A_572 : vector<16xi32>
      %add3A_574 = arith.addi %shift_left3A_570, %shift_left3A_573 : vector<16xi32>
      %shift_left3A_575 = arith.constant 7 : i32
      %shift_left3A_576 = vector.broadcast %shift_left3A_575 : i32 to vector<16xi32>
      %shift_left3A_577 = arith.shli %get3A_564, %shift_left3A_576 : vector<16xi32>
      %add3A_578 = arith.addi %add3A_574, %shift_left3A_577 : vector<16xi32>
      %and3A_579 = arith.constant 127 : i32
      %and3A_580 = vector.broadcast %and3A_579 : i32 to vector<16xi32>
      %and3A_581 = arith.andi %get3A_561, %and3A_580 : vector<16xi32>
      %add3A_582 = arith.addi %add3A_578, %and3A_581 : vector<16xi32>
      %swap3A_583 = arith.index_cast %scan3A_425 : i32 to index
      %swap3A_584 = arith.constant 64 : index
      %swap3A_585 = tpu.vector_load %arg8[%swap3A_583, %swap3A_584] {strides = array<i32>} : memref<25x128xi32, #tpu.memory_space<vmem>>, vector<1x16xi32>,
      %swap3A_586 = vector.shape_cast %swap3A_585 : vector<1x16xi32> to vector<16xi32>
      %swap3A_587 = vector.shape_cast %add3A_582 : vector<16xi32> to vector<1x16xi32>
      tpu.vector_store %arg8[%swap3A_583, %swap3A_584], %swap3A_587 {strides = array<i32>} : memref<25x128xi32, #tpu.memory_space<vmem>>, vector<1x16xi32>,
      %mul3A_588 = arith.constant 128 : i32
      %mul3A_589 = arith.muli %scan3A_425, %mul3A_588 : i32
      %add3A_590 = arith.constant 80 : i32
      %add3A_591 = arith.addi %mul3A_589, %add3A_590 : i32
      %get3A_592 = arith.index_cast %add3A_591 : i32 to index
      %get3A_593 = tpu.vector_load %arg6[%get3A_592] {strides = array<i32>} : memref<3200xi32, #tpu.memory_space<vmem>>, vector<16xi32>,
      %get3A_594 = vector.shape_cast %get3A_593 : vector<16xi32> to vector<16xi32>
      %get3A_595 = arith.index_cast %add3A_591 : i32 to index
      %get3A_596 = tpu.vector_load %arg7[%get3A_595] {strides = array<i32>} : memref<3200xi32, #tpu.memory_space<vmem>>, vector<16xi32>,
      %get3A_597 = vector.shape_cast %get3A_596 : vector<16xi32> to vector<16xi32>
      %shift_right_arithmetic3A_598 = arith.constant 7 : i32
      %shift_right_arithmetic3A_599 = vector.broadcast %shift_right_arithmetic3A_598 : i32 to vector<16xi32>
      %shift_right_arithmetic3A_600 = arith.shrsi %get3A_594, %shift_right_arithmetic3A_599 : vector<16xi32>
      %shift_left3A_601 = arith.constant 17 : i32
      %shift_left3A_602 = vector.broadcast %shift_left3A_601 : i32 to vector<16xi32>
      %shift_left3A_603 = arith.shli %shift_right_arithmetic3A_600, %shift_left3A_602 : vector<16xi32>
      %shift_left3A_604 = arith.constant 15 : i32
      %shift_left3A_605 = vector.broadcast %shift_left3A_604 : i32 to vector<16xi32>
      %shift_left3A_606 = arith.shli %shift_right_arithmetic3A_600, %shift_left3A_605 : vector<16xi32>
      %add3A_607 = arith.addi %shift_left3A_603, %shift_left3A_606 : vector<16xi32>
      %shift_left3A_608 = arith.constant 7 : i32
      %shift_left3A_609 = vector.broadcast %shift_left3A_608 : i32 to vector<16xi32>
      %shift_left3A_610 = arith.shli %get3A_597, %shift_left3A_609 : vector<16xi32>
      %add3A_611 = arith.addi %add3A_607, %shift_left3A_610 : vector<16xi32>
      %and3A_612 = arith.constant 127 : i32
      %and3A_613 = vector.broadcast %and3A_612 : i32 to vector<16xi32>
      %and3A_614 = arith.andi %get3A_594, %and3A_613 : vector<16xi32>
      %add3A_615 = arith.addi %add3A_611, %and3A_614 : vector<16xi32>
      %swap3A_616 = arith.index_cast %scan3A_425 : i32 to index
      %swap3A_617 = arith.constant 80 : index
      %swap3A_618 = tpu.vector_load %arg8[%swap3A_616, %swap3A_617] {strides = array<i32>} : memref<25x128xi32, #tpu.memory_space<vmem>>, vector<1x16xi32>,
      %swap3A_619 = vector.shape_cast %swap3A_618 : vector<1x16xi32> to vector<16xi32>
      %swap3A_620 = vector.shape_cast %add3A_615 : vector<16xi32> to vector<1x16xi32>
      tpu.vector_store %arg8[%swap3A_616, %swap3A_617], %swap3A_620 {strides = array<i32>} : memref<25x128xi32, #tpu.memory_space<vmem>>, vector<1x16xi32>,
      %mul3A_621 = arith.constant 128 : i32
      %mul3A_622 = arith.muli %scan3A_425, %mul3A_621 : i32
      %add3A_623 = arith.constant 96 : i32
      %add3A_624 = arith.addi %mul3A_622, %add3A_623 : i32
      %get3A_625 = arith.index_cast %add3A_624 : i32 to index
      %get3A_626 = tpu.vector_load %arg6[%get3A_625] {strides = array<i32>} : memref<3200xi32, #tpu.memory_space<vmem>>, vector<16xi32>,
      %get3A_627 = vector.shape_cast %get3A_626 : vector<16xi32> to vector<16xi32>
      %get3A_628 = arith.index_cast %add3A_624 : i32 to index
      %get3A_629 = tpu.vector_load %arg7[%get3A_628] {strides = array<i32>} : memref<3200xi32, #tpu.memory_space<vmem>>, vector<16xi32>,
      %get3A_630 = vector.shape_cast %get3A_629 : vector<16xi32> to vector<16xi32>
      %shift_right_arithmetic3A_631 = arith.constant 7 : i32
      %shift_right_arithmetic3A_632 = vector.broadcast %shift_right_arithmetic3A_631 : i32 to vector<16xi32>
      %shift_right_arithmetic3A_633 = arith.shrsi %get3A_627, %shift_right_arithmetic3A_632 : vector<16xi32>
      %shift_left3A_634 = arith.constant 17 : i32
      %shift_left3A_635 = vector.broadcast %shift_left3A_634 : i32 to vector<16xi32>
      %shift_left3A_636 = arith.shli %shift_right_arithmetic3A_633, %shift_left3A_635 : vector<16xi32>
      %shift_left3A_637 = arith.constant 15 : i32
      %shift_left3A_638 = vector.broadcast %shift_left3A_637 : i32 to vector<16xi32>
      %shift_left3A_639 = arith.shli %shift_right_arithmetic3A_633, %shift_left3A_638 : vector<16xi32>
      %add3A_640 = arith.addi %shift_left3A_636, %shift_left3A_639 : vector<16xi32>
      %shift_left3A_641 = arith.constant 7 : i32
      %shift_left3A_642 = vector.broadcast %shift_left3A_641 : i32 to vector<16xi32>
      %shift_left3A_643 = arith.shli %get3A_630, %shift_left3A_642 : vector<16xi32>
      %add3A_644 = arith.addi %add3A_640, %shift_left3A_643 : vector<16xi32>
      %and3A_645 = arith.constant 127 : i32
      %and3A_646 = vector.broadcast %and3A_645 : i32 to vector<16xi32>
      %and3A_647 = arith.andi %get3A_627, %and3A_646 : vector<16xi32>
      %add3A_648 = arith.addi %add3A_644, %and3A_647 : vector<16xi32>
      %swap3A_649 = arith.index_cast %scan3A_425 : i32 to index
      %swap3A_650 = arith.constant 96 : index
      %swap3A_651 = tpu.vector_load %arg8[%swap3A_649, %swap3A_650] {strides = array<i32>} : memref<25x128xi32, #tpu.memory_space<vmem>>, vector<1x16xi32>,
      %swap3A_652 = vector.shape_cast %swap3A_651 : vector<1x16xi32> to vector<16xi32>
      %swap3A_653 = vector.shape_cast %add3A_648 : vector<16xi32> to vector<1x16xi32>
      tpu.vector_store %arg8[%swap3A_649, %swap3A_650], %swap3A_653 {strides = array<i32>} : memref<25x128xi32, #tpu.memory_space<vmem>>, vector<1x16xi32>,
      %mul3A_654 = arith.constant 128 : i32
      %mul3A_655 = arith.muli %scan3A_425, %mul3A_654 : i32
      %add3A_656 = arith.constant 112 : i32
      %add3A_657 = arith.addi %mul3A_655, %add3A_656 : i32
      %get3A_658 = arith.index_cast %add3A_657 : i32 to index
      %get3A_659 = tpu.vector_load %arg6[%get3A_658] {strides = array<i32>} : memref<3200xi32, #tpu.memory_space<vmem>>, vector<16xi32>,
      %get3A_660 = vector.shape_cast %get3A_659 : vector<16xi32> to vector<16xi32>
      %get3A_661 = arith.index_cast %add3A_657 : i32 to index
      %get3A_662 = tpu.vector_load %arg7[%get3A_661] {strides = array<i32>} : memref<3200xi32, #tpu.memory_space<vmem>>, vector<16xi32>,
      %get3A_663 = vector.shape_cast %get3A_662 : vector<16xi32> to vector<16xi32>
      %shift_right_arithmetic3A_664 = arith.constant 7 : i32
      %shift_right_arithmetic3A_665 = vector.broadcast %shift_right_arithmetic3A_664 : i32 to vector<16xi32>
      %shift_right_arithmetic3A_666 = arith.shrsi %get3A_660, %shift_right_arithmetic3A_665 : vector<16xi32>
      %shift_left3A_667 = arith.constant 17 : i32
      %shift_left3A_668 = vector.broadcast %shift_left3A_667 : i32 to vector<16xi32>
      %shift_left3A_669 = arith.shli %shift_right_arithmetic3A_666, %shift_left3A_668 : vector<16xi32>
      %shift_left3A_670 = arith.constant 15 : i32
      %shift_left3A_671 = vector.broadcast %shift_left3A_670 : i32 to vector<16xi32>
      %shift_left3A_672 = arith.shli %shift_right_arithmetic3A_666, %shift_left3A_671 : vector<16xi32>
      %add3A_673 = arith.addi %shift_left3A_669, %shift_left3A_672 : vector<16xi32>
      %shift_left3A_674 = arith.constant 7 : i32
      %shift_left3A_675 = vector.broadcast %shift_left3A_674 : i32 to vector<16xi32>
      %shift_left3A_676 = arith.shli %get3A_663, %shift_left3A_675 : vector<16xi32>
      %add3A_677 = arith.addi %add3A_673, %shift_left3A_676 : vector<16xi32>
      %and3A_678 = arith.constant 127 : i32
      %and3A_679 = vector.broadcast %and3A_678 : i32 to vector<16xi32>
      %and3A_680 = arith.andi %get3A_660, %and3A_679 : vector<16xi32>
      %add3A_681 = arith.addi %add3A_677, %and3A_680 : vector<16xi32>
      %swap3A_682 = arith.index_cast %scan3A_425 : i32 to index
      %swap3A_683 = arith.constant 112 : index
      %swap3A_684 = tpu.vector_load %arg8[%swap3A_682, %swap3A_683] {strides = array<i32>} : memref<25x128xi32, #tpu.memory_space<vmem>>, vector<1x16xi32>,
      %swap3A_685 = vector.shape_cast %swap3A_684 : vector<1x16xi32> to vector<16xi32>
      %swap3A_686 = vector.shape_cast %add3A_681 : vector<16xi32> to vector<1x16xi32>
      tpu.vector_store %arg8[%swap3A_682, %swap3A_683], %swap3A_686 {strides = array<i32>} : memref<25x128xi32, #tpu.memory_space<vmem>>, vector<1x16xi32>,
      %scan3A_687 = arith.constant 0 : i32
      scf.yield %scan3A_687 : i32
    }
    %scan3A_103 = arith.constant 25 : i32
    %dma_wait3A_104 = tpu.memref_slice %arg5[%add3A_41] : memref<1638400xf32, #tpu.memory_space<vmem_shared>> -> memref<12800xf32, #tpu.memory_space<vmem_shared>>
    %dma_wait3A_105 = tpu.memref_slice %arg5[%add3A_41] : memref<1638400xf32, #tpu.memory_space<vmem_shared>> -> memref<12800xf32, #tpu.memory_space<vmem_shared>>
    tpu.wait_dma2 semaphore(%arg12 : memref<!tpu.dma_semaphore, #tpu.memory_space<semaphore_mem>>) src(%arg10 : memref<12800xf32, #tpu.memory_space<vmem>>) dst(%dma_wait3A_105 : memref<12800xf32, #tpu.memory_space<vmem_shared>>)
    %dma_wait3A_106 = tpu.memref_slice %arg5[%add3A_46] : memref<1638400xf32, #tpu.memory_space<vmem_shared>> -> memref<12800xf32, #tpu.memory_space<vmem_shared>>
    %dma_wait3A_107 = tpu.memref_slice %arg5[%add3A_46] : memref<1638400xf32, #tpu.memory_space<vmem_shared>> -> memref<12800xf32, #tpu.memory_space<vmem_shared>>
    tpu.wait_dma2 semaphore(%arg12 : memref<!tpu.dma_semaphore, #tpu.memory_space<semaphore_mem>>) src(%arg10 : memref<12800xf32, #tpu.memory_space<vmem>>) dst(%dma_wait3A_107 : memref<12800xf32, #tpu.memory_space<vmem_shared>>)
    %dma_wait3A_108 = tpu.memref_slice %arg5[%add3A_52] : memref<1638400xf32, #tpu.memory_space<vmem_shared>> -> memref<12800xf32, #tpu.memory_space<vmem_shared>>
    %dma_wait3A_109 = tpu.memref_slice %arg5[%add3A_52] : memref<1638400xf32, #tpu.memory_space<vmem_shared>> -> memref<12800xf32, #tpu.memory_space<vmem_shared>>
    tpu.wait_dma2 semaphore(%arg12 : memref<!tpu.dma_semaphore, #tpu.memory_space<semaphore_mem>>) src(%arg10 : memref<12800xf32, #tpu.memory_space<vmem>>) dst(%dma_wait3A_109 : memref<12800xf32, #tpu.memory_space<vmem_shared>>)
    %dma_wait3A_110 = tpu.memref_slice %arg5[%add3A_58] : memref<1638400xf32, #tpu.memory_space<vmem_shared>> -> memref<12800xf32, #tpu.memory_space<vmem_shared>>
    %dma_wait3A_111 = tpu.memref_slice %arg5[%add3A_58] : memref<1638400xf32, #tpu.memory_space<vmem_shared>> -> memref<12800xf32, #tpu.memory_space<vmem_shared>>
    tpu.wait_dma2 semaphore(%arg12 : memref<!tpu.dma_semaphore, #tpu.memory_space<semaphore_mem>>) src(%arg10 : memref<12800xf32, #tpu.memory_space<vmem>>) dst(%dma_wait3A_111 : memref<12800xf32, #tpu.memory_space<vmem_shared>>)
    %dma_wait3A_112 = tpu.memref_slice %arg5[%add3A_64] : memref<1638400xf32, #tpu.memory_space<vmem_shared>> -> memref<12800xf32, #tpu.memory_space<vmem_shared>>
    %dma_wait3A_113 = tpu.memref_slice %arg5[%add3A_64] : memref<1638400xf32, #tpu.memory_space<vmem_shared>> -> memref<12800xf32, #tpu.memory_space<vmem_shared>>
    tpu.wait_dma2 semaphore(%arg12 : memref<!tpu.dma_semaphore, #tpu.memory_space<semaphore_mem>>) src(%arg10 : memref<12800xf32, #tpu.memory_space<vmem>>) dst(%dma_wait3A_113 : memref<12800xf32, #tpu.memory_space<vmem_shared>>)
    %dma_wait3A_114 = tpu.memref_slice %arg5[%add3A_70] : memref<1638400xf32, #tpu.memory_space<vmem_shared>> -> memref<12800xf32, #tpu.memory_space<vmem_shared>>
    %dma_wait3A_115 = tpu.memref_slice %arg5[%add3A_70] : memref<1638400xf32, #tpu.memory_space<vmem_shared>> -> memref<12800xf32, #tpu.memory_space<vmem_shared>>
    tpu.wait_dma2 semaphore(%arg12 : memref<!tpu.dma_semaphore, #tpu.memory_space<semaphore_mem>>) src(%arg10 : memref<12800xf32, #tpu.memory_space<vmem>>) dst(%dma_wait3A_115 : memref<12800xf32, #tpu.memory_space<vmem_shared>>)
    %dma_wait3A_116 = tpu.memref_slice %arg5[%add3A_76] : memref<1638400xf32, #tpu.memory_space<vmem_shared>> -> memref<12800xf32, #tpu.memory_space<vmem_shared>>
    %dma_wait3A_117 = tpu.memref_slice %arg5[%add3A_76] : memref<1638400xf32, #tpu.memory_space<vmem_shared>> -> memref<12800xf32, #tpu.memory_space<vmem_shared>>
    tpu.wait_dma2 semaphore(%arg12 : memref<!tpu.dma_semaphore, #tpu.memory_space<semaphore_mem>>) src(%arg10 : memref<12800xf32, #tpu.memory_space<vmem>>) dst(%dma_wait3A_117 : memref<12800xf32, #tpu.memory_space<vmem_shared>>)
    %dma_wait3A_118 = tpu.memref_slice %arg5[%add3A_82] : memref<1638400xf32, #tpu.memory_space<vmem_shared>> -> memref<12800xf32, #tpu.memory_space<vmem_shared>>
    %dma_wait3A_119 = tpu.memref_slice %arg5[%add3A_82] : memref<1638400xf32, #tpu.memory_space<vmem_shared>> -> memref<12800xf32, #tpu.memory_space<vmem_shared>>
    tpu.wait_dma2 semaphore(%arg12 : memref<!tpu.dma_semaphore, #tpu.memory_space<semaphore_mem>>) src(%arg10 : memref<12800xf32, #tpu.memory_space<vmem>>) dst(%dma_wait3A_119 : memref<12800xf32, #tpu.memory_space<vmem_shared>>)
    %barrier3A = arith.constant 0 : index
    tpu.barrier barrier_id(%barrier3A)
    %dma_start3A_120 = arith.constant 0 : i32
    %dma_start3A_121 = arith.constant 0 : i32
    %dma_start3A_122 = tpu.memref_slice %arg8[%dma_start3A_120, %dma_start3A_121] : memref<25x128xi32, #tpu.memory_space<vmem>> -> memref<1x128xi32, #tpu.memory_space<vmem>>
    %dma_start3A_123 = tpu.memref_squeeze %dma_start3A_122 : memref<1x128xi32, #tpu.memory_space<vmem>> -> memref<128xi32, #tpu.memory_space<vmem>>
    %dma_start3A_124 = arith.constant 0 : i32
    %dma_start3A_125 = tpu.memref_slice %arg5[%dma_start3A_124] : memref<1638400xf32, #tpu.memory_space<vmem_shared>> -> memref<1638400xf32, #tpu.memory_space<vmem_shared>>
    tpu.enqueue_indirect_dma source(%arg9 : memref<128xf32, #tpu.memory_space<vmem>>) target(%dma_start3A_125 : memref<1638400xf32, #tpu.memory_space<vmem_shared>>) offsets(%dma_start3A_123 : memref<128xi32, #tpu.memory_space<vmem>>) semaphore(%arg11 : memref<!tpu.dma_semaphore, #tpu.memory_space<semaphore_mem>>) {add = true}
    %dma_start3A_126 = arith.constant 1 : i32
    %dma_start3A_127 = arith.constant 0 : i32
    %dma_start3A_128 = tpu.memref_slice %arg8[%dma_start3A_126, %dma_start3A_127] : memref<25x128xi32, #tpu.memory_space<vmem>> -> memref<1x128xi32, #tpu.memory_space<vmem>>
    %dma_start3A_129 = tpu.memref_squeeze %dma_start3A_128 : memref<1x128xi32, #tpu.memory_space<vmem>> -> memref<128xi32, #tpu.memory_space<vmem>>
    %dma_start3A_130 = arith.constant 0 : i32
    %dma_start3A_131 = tpu.memref_slice %arg5[%dma_start3A_130] : memref<1638400xf32, #tpu.memory_space<vmem_shared>> -> memref<1638400xf32, #tpu.memory_space<vmem_shared>>
    tpu.enqueue_indirect_dma source(%arg9 : memref<128xf32, #tpu.memory_space<vmem>>) target(%dma_start3A_131 : memref<1638400xf32, #tpu.memory_space<vmem_shared>>) offsets(%dma_start3A_129 : memref<128xi32, #tpu.memory_space<vmem>>) semaphore(%arg11 : memref<!tpu.dma_semaphore, #tpu.memory_space<semaphore_mem>>) {add = true}
    %dma_start3A_132 = arith.constant 2 : i32
    %dma_start3A_133 = arith.constant 0 : i32
    %dma_start3A_134 = tpu.memref_slice %arg8[%dma_start3A_132, %dma_start3A_133] : memref<25x128xi32, #tpu.memory_space<vmem>> -> memref<1x128xi32, #tpu.memory_space<vmem>>
    %dma_start3A_135 = tpu.memref_squeeze %dma_start3A_134 : memref<1x128xi32, #tpu.memory_space<vmem>> -> memref<128xi32, #tpu.memory_space<vmem>>
    %dma_start3A_136 = arith.constant 0 : i32
    %dma_start3A_137 = tpu.memref_slice %arg5[%dma_start3A_136] : memref<1638400xf32, #tpu.memory_space<vmem_shared>> -> memref<1638400xf32, #tpu.memory_space<vmem_shared>>
    tpu.enqueue_indirect_dma source(%arg9 : memref<128xf32, #tpu.memory_space<vmem>>) target(%dma_start3A_137 : memref<1638400xf32, #tpu.memory_space<vmem_shared>>) offsets(%dma_start3A_135 : memref<128xi32, #tpu.memory_space<vmem>>) semaphore(%arg11 : memref<!tpu.dma_semaphore, #tpu.memory_space<semaphore_mem>>) {add = true}
    %dma_start3A_138 = arith.constant 3 : i32
    %dma_start3A_139 = arith.constant 0 : i32
    %dma_start3A_140 = tpu.memref_slice %arg8[%dma_start3A_138, %dma_start3A_139] : memref<25x128xi32, #tpu.memory_space<vmem>> -> memref<1x128xi32, #tpu.memory_space<vmem>>
    %dma_start3A_141 = tpu.memref_squeeze %dma_start3A_140 : memref<1x128xi32, #tpu.memory_space<vmem>> -> memref<128xi32, #tpu.memory_space<vmem>>
    %dma_start3A_142 = arith.constant 0 : i32
    %dma_start3A_143 = tpu.memref_slice %arg5[%dma_start3A_142] : memref<1638400xf32, #tpu.memory_space<vmem_shared>> -> memref<1638400xf32, #tpu.memory_space<vmem_shared>>
    tpu.enqueue_indirect_dma source(%arg9 : memref<128xf32, #tpu.memory_space<vmem>>) target(%dma_start3A_143 : memref<1638400xf32, #tpu.memory_space<vmem_shared>>) offsets(%dma_start3A_141 : memref<128xi32, #tpu.memory_space<vmem>>) semaphore(%arg11 : memref<!tpu.dma_semaphore, #tpu.memory_space<semaphore_mem>>) {add = true}
    %dma_start3A_144 = arith.constant 4 : i32
    %dma_start3A_145 = arith.constant 0 : i32
    %dma_start3A_146 = tpu.memref_slice %arg8[%dma_start3A_144, %dma_start3A_145] : memref<25x128xi32, #tpu.memory_space<vmem>> -> memref<1x128xi32, #tpu.memory_space<vmem>>
    %dma_start3A_147 = tpu.memref_squeeze %dma_start3A_146 : memref<1x128xi32, #tpu.memory_space<vmem>> -> memref<128xi32, #tpu.memory_space<vmem>>
    %dma_start3A_148 = arith.constant 0 : i32
    %dma_start3A_149 = tpu.memref_slice %arg5[%dma_start3A_148] : memref<1638400xf32, #tpu.memory_space<vmem_shared>> -> memref<1638400xf32, #tpu.memory_space<vmem_shared>>
    tpu.enqueue_indirect_dma source(%arg9 : memref<128xf32, #tpu.memory_space<vmem>>) target(%dma_start3A_149 : memref<1638400xf32, #tpu.memory_space<vmem_shared>>) offsets(%dma_start3A_147 : memref<128xi32, #tpu.memory_space<vmem>>) semaphore(%arg11 : memref<!tpu.dma_semaphore, #tpu.memory_space<semaphore_mem>>) {add = true}
    %dma_start3A_150 = arith.constant 5 : i32
    %dma_start3A_151 = arith.constant 0 : i32
    %dma_start3A_152 = tpu.memref_slice %arg8[%dma_start3A_150, %dma_start3A_151] : memref<25x128xi32, #tpu.memory_space<vmem>> -> memref<1x128xi32, #tpu.memory_space<vmem>>
    %dma_start3A_153 = tpu.memref_squeeze %dma_start3A_152 : memref<1x128xi32, #tpu.memory_space<vmem>> -> memref<128xi32, #tpu.memory_space<vmem>>
    %dma_start3A_154 = arith.constant 0 : i32
    %dma_start3A_155 = tpu.memref_slice %arg5[%dma_start3A_154] : memref<1638400xf32, #tpu.memory_space<vmem_shared>> -> memref<1638400xf32, #tpu.memory_space<vmem_shared>>
    tpu.enqueue_indirect_dma source(%arg9 : memref<128xf32, #tpu.memory_space<vmem>>) target(%dma_start3A_155 : memref<1638400xf32, #tpu.memory_space<vmem_shared>>) offsets(%dma_start3A_153 : memref<128xi32, #tpu.memory_space<vmem>>) semaphore(%arg11 : memref<!tpu.dma_semaphore, #tpu.memory_space<semaphore_mem>>) {add = true}
    %dma_start3A_156 = arith.constant 6 : i32
    %dma_start3A_157 = arith.constant 0 : i32
    %dma_start3A_158 = tpu.memref_slice %arg8[%dma_start3A_156, %dma_start3A_157] : memref<25x128xi32, #tpu.memory_space<vmem>> -> memref<1x128xi32, #tpu.memory_space<vmem>>
    %dma_start3A_159 = tpu.memref_squeeze %dma_start3A_158 : memref<1x128xi32, #tpu.memory_space<vmem>> -> memref<128xi32, #tpu.memory_space<vmem>>
    %dma_start3A_160 = arith.constant 0 : i32
    %dma_start3A_161 = tpu.memref_slice %arg5[%dma_start3A_160] : memref<1638400xf32, #tpu.memory_space<vmem_shared>> -> memref<1638400xf32, #tpu.memory_space<vmem_shared>>
    tpu.enqueue_indirect_dma source(%arg9 : memref<128xf32, #tpu.memory_space<vmem>>) target(%dma_start3A_161 : memref<1638400xf32, #tpu.memory_space<vmem_shared>>) offsets(%dma_start3A_159 : memref<128xi32, #tpu.memory_space<vmem>>) semaphore(%arg11 : memref<!tpu.dma_semaphore, #tpu.memory_space<semaphore_mem>>) {add = true}
    %dma_start3A_162 = arith.constant 7 : i32
    %dma_start3A_163 = arith.constant 0 : i32
    %dma_start3A_164 = tpu.memref_slice %arg8[%dma_start3A_162, %dma_start3A_163] : memref<25x128xi32, #tpu.memory_space<vmem>> -> memref<1x128xi32, #tpu.memory_space<vmem>>
    %dma_start3A_165 = tpu.memref_squeeze %dma_start3A_164 : memref<1x128xi32, #tpu.memory_space<vmem>> -> memref<128xi32, #tpu.memory_space<vmem>>
    %dma_start3A_166 = arith.constant 0 : i32
    %dma_start3A_167 = tpu.memref_slice %arg5[%dma_start3A_166] : memref<1638400xf32, #tpu.memory_space<vmem_shared>> -> memref<1638400xf32, #tpu.memory_space<vmem_shared>>
    tpu.enqueue_indirect_dma source(%arg9 : memref<128xf32, #tpu.memory_space<vmem>>) target(%dma_start3A_167 : memref<1638400xf32, #tpu.memory_space<vmem_shared>>) offsets(%dma_start3A_165 : memref<128xi32, #tpu.memory_space<vmem>>) semaphore(%arg11 : memref<!tpu.dma_semaphore, #tpu.memory_space<semaphore_mem>>) {add = true}
    %dma_start3A_168 = arith.constant 8 : i32
    %dma_start3A_169 = arith.constant 0 : i32
    %dma_start3A_170 = tpu.memref_slice %arg8[%dma_start3A_168, %dma_start3A_169] : memref<25x128xi32, #tpu.memory_space<vmem>> -> memref<1x128xi32, #tpu.memory_space<vmem>>
    %dma_start3A_171 = tpu.memref_squeeze %dma_start3A_170 : memref<1x128xi32, #tpu.memory_space<vmem>> -> memref<128xi32, #tpu.memory_space<vmem>>
    %dma_start3A_172 = arith.constant 0 : i32
    %dma_start3A_173 = tpu.memref_slice %arg5[%dma_start3A_172] : memref<1638400xf32, #tpu.memory_space<vmem_shared>> -> memref<1638400xf32, #tpu.memory_space<vmem_shared>>
    tpu.enqueue_indirect_dma source(%arg9 : memref<128xf32, #tpu.memory_space<vmem>>) target(%dma_start3A_173 : memref<1638400xf32, #tpu.memory_space<vmem_shared>>) offsets(%dma_start3A_171 : memref<128xi32, #tpu.memory_space<vmem>>) semaphore(%arg11 : memref<!tpu.dma_semaphore, #tpu.memory_space<semaphore_mem>>) {add = true}
    %dma_start3A_174 = arith.constant 9 : i32
    %dma_start3A_175 = arith.constant 0 : i32
    %dma_start3A_176 = tpu.memref_slice %arg8[%dma_start3A_174, %dma_start3A_175] : memref<25x128xi32, #tpu.memory_space<vmem>> -> memref<1x128xi32, #tpu.memory_space<vmem>>
    %dma_start3A_177 = tpu.memref_squeeze %dma_start3A_176 : memref<1x128xi32, #tpu.memory_space<vmem>> -> memref<128xi32, #tpu.memory_space<vmem>>
    %dma_start3A_178 = arith.constant 0 : i32
    %dma_start3A_179 = tpu.memref_slice %arg5[%dma_start3A_178] : memref<1638400xf32, #tpu.memory_space<vmem_shared>> -> memref<1638400xf32, #tpu.memory_space<vmem_shared>>
    tpu.enqueue_indirect_dma source(%arg9 : memref<128xf32, #tpu.memory_space<vmem>>) target(%dma_start3A_179 : memref<1638400xf32, #tpu.memory_space<vmem_shared>>) offsets(%dma_start3A_177 : memref<128xi32, #tpu.memory_space<vmem>>) semaphore(%arg11 : memref<!tpu.dma_semaphore, #tpu.memory_space<semaphore_mem>>) {add = true}
    %dma_start3A_180 = arith.constant 10 : i32
    %dma_start3A_181 = arith.constant 0 : i32
    %dma_start3A_182 = tpu.memref_slice %arg8[%dma_start3A_180, %dma_start3A_181] : memref<25x128xi32, #tpu.memory_space<vmem>> -> memref<1x128xi32, #tpu.memory_space<vmem>>
    %dma_start3A_183 = tpu.memref_squeeze %dma_start3A_182 : memref<1x128xi32, #tpu.memory_space<vmem>> -> memref<128xi32, #tpu.memory_space<vmem>>
    %dma_start3A_184 = arith.constant 0 : i32
    %dma_start3A_185 = tpu.memref_slice %arg5[%dma_start3A_184] : memref<1638400xf32, #tpu.memory_space<vmem_shared>> -> memref<1638400xf32, #tpu.memory_space<vmem_shared>>
    tpu.enqueue_indirect_dma source(%arg9 : memref<128xf32, #tpu.memory_space<vmem>>) target(%dma_start3A_185 : memref<1638400xf32, #tpu.memory_space<vmem_shared>>) offsets(%dma_start3A_183 : memref<128xi32, #tpu.memory_space<vmem>>) semaphore(%arg11 : memref<!tpu.dma_semaphore, #tpu.memory_space<semaphore_mem>>) {add = true}
    %dma_start3A_186 = arith.constant 11 : i32
    %dma_start3A_187 = arith.constant 0 : i32
    %dma_start3A_188 = tpu.memref_slice %arg8[%dma_start3A_186, %dma_start3A_187] : memref<25x128xi32, #tpu.memory_space<vmem>> -> memref<1x128xi32, #tpu.memory_space<vmem>>
    %dma_start3A_189 = tpu.memref_squeeze %dma_start3A_188 : memref<1x128xi32, #tpu.memory_space<vmem>> -> memref<128xi32, #tpu.memory_space<vmem>>
    %dma_start3A_190 = arith.constant 0 : i32
    %dma_start3A_191 = tpu.memref_slice %arg5[%dma_start3A_190] : memref<1638400xf32, #tpu.memory_space<vmem_shared>> -> memref<1638400xf32, #tpu.memory_space<vmem_shared>>
    tpu.enqueue_indirect_dma source(%arg9 : memref<128xf32, #tpu.memory_space<vmem>>) target(%dma_start3A_191 : memref<1638400xf32, #tpu.memory_space<vmem_shared>>) offsets(%dma_start3A_189 : memref<128xi32, #tpu.memory_space<vmem>>) semaphore(%arg11 : memref<!tpu.dma_semaphore, #tpu.memory_space<semaphore_mem>>) {add = true}
    %dma_start3A_192 = arith.constant 12 : i32
    %dma_start3A_193 = arith.constant 0 : i32
    %dma_start3A_194 = tpu.memref_slice %arg8[%dma_start3A_192, %dma_start3A_193] : memref<25x128xi32, #tpu.memory_space<vmem>> -> memref<1x128xi32, #tpu.memory_space<vmem>>
    %dma_start3A_195 = tpu.memref_squeeze %dma_start3A_194 : memref<1x128xi32, #tpu.memory_space<vmem>> -> memref<128xi32, #tpu.memory_space<vmem>>
    %dma_start3A_196 = arith.constant 0 : i32
    %dma_start3A_197 = tpu.memref_slice %arg5[%dma_start3A_196] : memref<1638400xf32, #tpu.memory_space<vmem_shared>> -> memref<1638400xf32, #tpu.memory_space<vmem_shared>>
    tpu.enqueue_indirect_dma source(%arg9 : memref<128xf32, #tpu.memory_space<vmem>>) target(%dma_start3A_197 : memref<1638400xf32, #tpu.memory_space<vmem_shared>>) offsets(%dma_start3A_195 : memref<128xi32, #tpu.memory_space<vmem>>) semaphore(%arg11 : memref<!tpu.dma_semaphore, #tpu.memory_space<semaphore_mem>>) {add = true}
    %dma_start3A_198 = arith.constant 13 : i32
    %dma_start3A_199 = arith.constant 0 : i32
    %dma_start3A_200 = tpu.memref_slice %arg8[%dma_start3A_198, %dma_start3A_199] : memref<25x128xi32, #tpu.memory_space<vmem>> -> memref<1x128xi32, #tpu.memory_space<vmem>>
    %dma_start3A_201 = tpu.memref_squeeze %dma_start3A_200 : memref<1x128xi32, #tpu.memory_space<vmem>> -> memref<128xi32, #tpu.memory_space<vmem>>
    %dma_start3A_202 = arith.constant 0 : i32
    %dma_start3A_203 = tpu.memref_slice %arg5[%dma_start3A_202] : memref<1638400xf32, #tpu.memory_space<vmem_shared>> -> memref<1638400xf32, #tpu.memory_space<vmem_shared>>
    tpu.enqueue_indirect_dma source(%arg9 : memref<128xf32, #tpu.memory_space<vmem>>) target(%dma_start3A_203 : memref<1638400xf32, #tpu.memory_space<vmem_shared>>) offsets(%dma_start3A_201 : memref<128xi32, #tpu.memory_space<vmem>>) semaphore(%arg11 : memref<!tpu.dma_semaphore, #tpu.memory_space<semaphore_mem>>) {add = true}
    %dma_start3A_204 = arith.constant 14 : i32
    %dma_start3A_205 = arith.constant 0 : i32
    %dma_start3A_206 = tpu.memref_slice %arg8[%dma_start3A_204, %dma_start3A_205] : memref<25x128xi32, #tpu.memory_space<vmem>> -> memref<1x128xi32, #tpu.memory_space<vmem>>
    %dma_start3A_207 = tpu.memref_squeeze %dma_start3A_206 : memref<1x128xi32, #tpu.memory_space<vmem>> -> memref<128xi32, #tpu.memory_space<vmem>>
    %dma_start3A_208 = arith.constant 0 : i32
    %dma_start3A_209 = tpu.memref_slice %arg5[%dma_start3A_208] : memref<1638400xf32, #tpu.memory_space<vmem_shared>> -> memref<1638400xf32, #tpu.memory_space<vmem_shared>>
    tpu.enqueue_indirect_dma source(%arg9 : memref<128xf32, #tpu.memory_space<vmem>>) target(%dma_start3A_209 : memref<1638400xf32, #tpu.memory_space<vmem_shared>>) offsets(%dma_start3A_207 : memref<128xi32, #tpu.memory_space<vmem>>) semaphore(%arg11 : memref<!tpu.dma_semaphore, #tpu.memory_space<semaphore_mem>>) {add = true}
    %dma_start3A_210 = arith.constant 15 : i32
    %dma_start3A_211 = arith.constant 0 : i32
    %dma_start3A_212 = tpu.memref_slice %arg8[%dma_start3A_210, %dma_start3A_211] : memref<25x128xi32, #tpu.memory_space<vmem>> -> memref<1x128xi32, #tpu.memory_space<vmem>>
    %dma_start3A_213 = tpu.memref_squeeze %dma_start3A_212 : memref<1x128xi32, #tpu.memory_space<vmem>> -> memref<128xi32, #tpu.memory_space<vmem>>
    %dma_start3A_214 = arith.constant 0 : i32
    %dma_start3A_215 = tpu.memref_slice %arg5[%dma_start3A_214] : memref<1638400xf32, #tpu.memory_space<vmem_shared>> -> memref<1638400xf32, #tpu.memory_space<vmem_shared>>
    tpu.enqueue_indirect_dma source(%arg9 : memref<128xf32, #tpu.memory_space<vmem>>) target(%dma_start3A_215 : memref<1638400xf32, #tpu.memory_space<vmem_shared>>) offsets(%dma_start3A_213 : memref<128xi32, #tpu.memory_space<vmem>>) semaphore(%arg11 : memref<!tpu.dma_semaphore, #tpu.memory_space<semaphore_mem>>) {add = true}
    %dma_start3A_216 = arith.constant 16 : i32
    %dma_start3A_217 = arith.constant 0 : i32
    %dma_start3A_218 = tpu.memref_slice %arg8[%dma_start3A_216, %dma_start3A_217] : memref<25x128xi32, #tpu.memory_space<vmem>> -> memref<1x128xi32, #tpu.memory_space<vmem>>
    %dma_start3A_219 = tpu.memref_squeeze %dma_start3A_218 : memref<1x128xi32, #tpu.memory_space<vmem>> -> memref<128xi32, #tpu.memory_space<vmem>>
    %dma_start3A_220 = arith.constant 0 : i32
    %dma_start3A_221 = tpu.memref_slice %arg5[%dma_start3A_220] : memref<1638400xf32, #tpu.memory_space<vmem_shared>> -> memref<1638400xf32, #tpu.memory_space<vmem_shared>>
    tpu.enqueue_indirect_dma source(%arg9 : memref<128xf32, #tpu.memory_space<vmem>>) target(%dma_start3A_221 : memref<1638400xf32, #tpu.memory_space<vmem_shared>>) offsets(%dma_start3A_219 : memref<128xi32, #tpu.memory_space<vmem>>) semaphore(%arg11 : memref<!tpu.dma_semaphore, #tpu.memory_space<semaphore_mem>>) {add = true}
    %dma_start3A_222 = arith.constant 17 : i32
    %dma_start3A_223 = arith.constant 0 : i32
    %dma_start3A_224 = tpu.memref_slice %arg8[%dma_start3A_222, %dma_start3A_223] : memref<25x128xi32, #tpu.memory_space<vmem>> -> memref<1x128xi32, #tpu.memory_space<vmem>>
    %dma_start3A_225 = tpu.memref_squeeze %dma_start3A_224 : memref<1x128xi32, #tpu.memory_space<vmem>> -> memref<128xi32, #tpu.memory_space<vmem>>
    %dma_start3A_226 = arith.constant 0 : i32
    %dma_start3A_227 = tpu.memref_slice %arg5[%dma_start3A_226] : memref<1638400xf32, #tpu.memory_space<vmem_shared>> -> memref<1638400xf32, #tpu.memory_space<vmem_shared>>
    tpu.enqueue_indirect_dma source(%arg9 : memref<128xf32, #tpu.memory_space<vmem>>) target(%dma_start3A_227 : memref<1638400xf32, #tpu.memory_space<vmem_shared>>) offsets(%dma_start3A_225 : memref<128xi32, #tpu.memory_space<vmem>>) semaphore(%arg11 : memref<!tpu.dma_semaphore, #tpu.memory_space<semaphore_mem>>) {add = true}
    %dma_start3A_228 = arith.constant 18 : i32
    %dma_start3A_229 = arith.constant 0 : i32
    %dma_start3A_230 = tpu.memref_slice %arg8[%dma_start3A_228, %dma_start3A_229] : memref<25x128xi32, #tpu.memory_space<vmem>> -> memref<1x128xi32, #tpu.memory_space<vmem>>
    %dma_start3A_231 = tpu.memref_squeeze %dma_start3A_230 : memref<1x128xi32, #tpu.memory_space<vmem>> -> memref<128xi32, #tpu.memory_space<vmem>>
    %dma_start3A_232 = arith.constant 0 : i32
    %dma_start3A_233 = tpu.memref_slice %arg5[%dma_start3A_232] : memref<1638400xf32, #tpu.memory_space<vmem_shared>> -> memref<1638400xf32, #tpu.memory_space<vmem_shared>>
    tpu.enqueue_indirect_dma source(%arg9 : memref<128xf32, #tpu.memory_space<vmem>>) target(%dma_start3A_233 : memref<1638400xf32, #tpu.memory_space<vmem_shared>>) offsets(%dma_start3A_231 : memref<128xi32, #tpu.memory_space<vmem>>) semaphore(%arg11 : memref<!tpu.dma_semaphore, #tpu.memory_space<semaphore_mem>>) {add = true}
    %dma_start3A_234 = arith.constant 19 : i32
    %dma_start3A_235 = arith.constant 0 : i32
    %dma_start3A_236 = tpu.memref_slice %arg8[%dma_start3A_234, %dma_start3A_235] : memref<25x128xi32, #tpu.memory_space<vmem>> -> memref<1x128xi32, #tpu.memory_space<vmem>>
    %dma_start3A_237 = tpu.memref_squeeze %dma_start3A_236 : memref<1x128xi32, #tpu.memory_space<vmem>> -> memref<128xi32, #tpu.memory_space<vmem>>
    %dma_start3A_238 = arith.constant 0 : i32
    %dma_start3A_239 = tpu.memref_slice %arg5[%dma_start3A_238] : memref<1638400xf32, #tpu.memory_space<vmem_shared>> -> memref<1638400xf32, #tpu.memory_space<vmem_shared>>
    tpu.enqueue_indirect_dma source(%arg9 : memref<128xf32, #tpu.memory_space<vmem>>) target(%dma_start3A_239 : memref<1638400xf32, #tpu.memory_space<vmem_shared>>) offsets(%dma_start3A_237 : memref<128xi32, #tpu.memory_space<vmem>>) semaphore(%arg11 : memref<!tpu.dma_semaphore, #tpu.memory_space<semaphore_mem>>) {add = true}
    %dma_start3A_240 = arith.constant 20 : i32
    %dma_start3A_241 = arith.constant 0 : i32
    %dma_start3A_242 = tpu.memref_slice %arg8[%dma_start3A_240, %dma_start3A_241] : memref<25x128xi32, #tpu.memory_space<vmem>> -> memref<1x128xi32, #tpu.memory_space<vmem>>
    %dma_start3A_243 = tpu.memref_squeeze %dma_start3A_242 : memref<1x128xi32, #tpu.memory_space<vmem>> -> memref<128xi32, #tpu.memory_space<vmem>>
    %dma_start3A_244 = arith.constant 0 : i32
    %dma_start3A_245 = tpu.memref_slice %arg5[%dma_start3A_244] : memref<1638400xf32, #tpu.memory_space<vmem_shared>> -> memref<1638400xf32, #tpu.memory_space<vmem_shared>>
    tpu.enqueue_indirect_dma source(%arg9 : memref<128xf32, #tpu.memory_space<vmem>>) target(%dma_start3A_245 : memref<1638400xf32, #tpu.memory_space<vmem_shared>>) offsets(%dma_start3A_243 : memref<128xi32, #tpu.memory_space<vmem>>) semaphore(%arg11 : memref<!tpu.dma_semaphore, #tpu.memory_space<semaphore_mem>>) {add = true}
    %dma_start3A_246 = arith.constant 21 : i32
    %dma_start3A_247 = arith.constant 0 : i32
    %dma_start3A_248 = tpu.memref_slice %arg8[%dma_start3A_246, %dma_start3A_247] : memref<25x128xi32, #tpu.memory_space<vmem>> -> memref<1x128xi32, #tpu.memory_space<vmem>>
    %dma_start3A_249 = tpu.memref_squeeze %dma_start3A_248 : memref<1x128xi32, #tpu.memory_space<vmem>> -> memref<128xi32, #tpu.memory_space<vmem>>
    %dma_start3A_250 = arith.constant 0 : i32
    %dma_start3A_251 = tpu.memref_slice %arg5[%dma_start3A_250] : memref<1638400xf32, #tpu.memory_space<vmem_shared>> -> memref<1638400xf32, #tpu.memory_space<vmem_shared>>
    tpu.enqueue_indirect_dma source(%arg9 : memref<128xf32, #tpu.memory_space<vmem>>) target(%dma_start3A_251 : memref<1638400xf32, #tpu.memory_space<vmem_shared>>) offsets(%dma_start3A_249 : memref<128xi32, #tpu.memory_space<vmem>>) semaphore(%arg11 : memref<!tpu.dma_semaphore, #tpu.memory_space<semaphore_mem>>) {add = true}
    %dma_start3A_252 = arith.constant 22 : i32
    %dma_start3A_253 = arith.constant 0 : i32
    %dma_start3A_254 = tpu.memref_slice %arg8[%dma_start3A_252, %dma_start3A_253] : memref<25x128xi32, #tpu.memory_space<vmem>> -> memref<1x128xi32, #tpu.memory_space<vmem>>
    %dma_start3A_255 = tpu.memref_squeeze %dma_start3A_254 : memref<1x128xi32, #tpu.memory_space<vmem>> -> memref<128xi32, #tpu.memory_space<vmem>>
    %dma_start3A_256 = arith.constant 0 : i32
    %dma_start3A_257 = tpu.memref_slice %arg5[%dma_start3A_256] : memref<1638400xf32, #tpu.memory_space<vmem_shared>> -> memref<1638400xf32, #tpu.memory_space<vmem_shared>>
    tpu.enqueue_indirect_dma source(%arg9 : memref<128xf32, #tpu.memory_space<vmem>>) target(%dma_start3A_257 : memref<1638400xf32, #tpu.memory_space<vmem_shared>>) offsets(%dma_start3A_255 : memref<128xi32, #tpu.memory_space<vmem>>) semaphore(%arg11 : memref<!tpu.dma_semaphore, #tpu.memory_space<semaphore_mem>>) {add = true}
    %dma_start3A_258 = arith.constant 23 : i32
    %dma_start3A_259 = arith.constant 0 : i32
    %dma_start3A_260 = tpu.memref_slice %arg8[%dma_start3A_258, %dma_start3A_259] : memref<25x128xi32, #tpu.memory_space<vmem>> -> memref<1x128xi32, #tpu.memory_space<vmem>>
    %dma_start3A_261 = tpu.memref_squeeze %dma_start3A_260 : memref<1x128xi32, #tpu.memory_space<vmem>> -> memref<128xi32, #tpu.memory_space<vmem>>
    %dma_start3A_262 = arith.constant 0 : i32
    %dma_start3A_263 = tpu.memref_slice %arg5[%dma_start3A_262] : memref<1638400xf32, #tpu.memory_space<vmem_shared>> -> memref<1638400xf32, #tpu.memory_space<vmem_shared>>
    tpu.enqueue_indirect_dma source(%arg9 : memref<128xf32, #tpu.memory_space<vmem>>) target(%dma_start3A_263 : memref<1638400xf32, #tpu.memory_space<vmem_shared>>) offsets(%dma_start3A_261 : memref<128xi32, #tpu.memory_space<vmem>>) semaphore(%arg11 : memref<!tpu.dma_semaphore, #tpu.memory_space<semaphore_mem>>) {add = true}
    %dma_start3A_264 = arith.constant 24 : i32
    %dma_start3A_265 = arith.constant 0 : i32
    %dma_start3A_266 = tpu.memref_slice %arg8[%dma_start3A_264, %dma_start3A_265] : memref<25x128xi32, #tpu.memory_space<vmem>> -> memref<1x128xi32, #tpu.memory_space<vmem>>
    %dma_start3A_267 = tpu.memref_squeeze %dma_start3A_266 : memref<1x128xi32, #tpu.memory_space<vmem>> -> memref<128xi32, #tpu.memory_space<vmem>>
    %dma_start3A_268 = arith.constant 0 : i32
    %dma_start3A_269 = tpu.memref_slice %arg5[%dma_start3A_268] : memref<1638400xf32, #tpu.memory_space<vmem_shared>> -> memref<1638400xf32, #tpu.memory_space<vmem_shared>>
    tpu.enqueue_indirect_dma source(%arg9 : memref<128xf32, #tpu.memory_space<vmem>>) target(%dma_start3A_269 : memref<1638400xf32, #tpu.memory_space<vmem_shared>>) offsets(%dma_start3A_267 : memref<128xi32, #tpu.memory_space<vmem>>) semaphore(%arg11 : memref<!tpu.dma_semaphore, #tpu.memory_space<semaphore_mem>>) {add = true}
    %dma_wait3A_270 = arith.constant 0 : i32
    %dma_wait3A_271 = arith.constant 0 : i32
    %dma_wait3A_272 = tpu.memref_slice %arg8[%dma_wait3A_270, %dma_wait3A_271] : memref<25x128xi32, #tpu.memory_space<vmem>> -> memref<1x128xi32, #tpu.memory_space<vmem>>
    %dma_wait3A_273 = tpu.memref_squeeze %dma_wait3A_272 : memref<1x128xi32, #tpu.memory_space<vmem>> -> memref<128xi32, #tpu.memory_space<vmem>>
    %dma_wait3A_274 = arith.constant 0 : i32
    %dma_wait3A_275 = tpu.memref_slice %arg5[%dma_wait3A_274] : memref<1638400xf32, #tpu.memory_space<vmem_shared>> -> memref<1638400xf32, #tpu.memory_space<vmem_shared>>
    tpu.wait_indirect_dma semaphore(%arg11 : memref<!tpu.dma_semaphore, #tpu.memory_space<semaphore_mem>>) src(%arg9 : memref<128xf32, #tpu.memory_space<vmem>>) dst(%dma_wait3A_275 : memref<1638400xf32, #tpu.memory_space<vmem_shared>>)
    %dma_wait3A_276 = arith.constant 1 : i32
    %dma_wait3A_277 = arith.constant 0 : i32
    %dma_wait3A_278 = tpu.memref_slice %arg8[%dma_wait3A_276, %dma_wait3A_277] : memref<25x128xi32, #tpu.memory_space<vmem>> -> memref<1x128xi32, #tpu.memory_space<vmem>>
    %dma_wait3A_279 = tpu.memref_squeeze %dma_wait3A_278 : memref<1x128xi32, #tpu.memory_space<vmem>> -> memref<128xi32, #tpu.memory_space<vmem>>
    %dma_wait3A_280 = arith.constant 0 : i32
    %dma_wait3A_281 = tpu.memref_slice %arg5[%dma_wait3A_280] : memref<1638400xf32, #tpu.memory_space<vmem_shared>> -> memref<1638400xf32, #tpu.memory_space<vmem_shared>>
    tpu.wait_indirect_dma semaphore(%arg11 : memref<!tpu.dma_semaphore, #tpu.memory_space<semaphore_mem>>) src(%arg9 : memref<128xf32, #tpu.memory_space<vmem>>) dst(%dma_wait3A_281 : memref<1638400xf32, #tpu.memory_space<vmem_shared>>)
    %dma_wait3A_282 = arith.constant 2 : i32
    %dma_wait3A_283 = arith.constant 0 : i32
    %dma_wait3A_284 = tpu.memref_slice %arg8[%dma_wait3A_282, %dma_wait3A_283] : memref<25x128xi32, #tpu.memory_space<vmem>> -> memref<1x128xi32, #tpu.memory_space<vmem>>
    %dma_wait3A_285 = tpu.memref_squeeze %dma_wait3A_284 : memref<1x128xi32, #tpu.memory_space<vmem>> -> memref<128xi32, #tpu.memory_space<vmem>>
    %dma_wait3A_286 = arith.constant 0 : i32
    %dma_wait3A_287 = tpu.memref_slice %arg5[%dma_wait3A_286] : memref<1638400xf32, #tpu.memory_space<vmem_shared>> -> memref<1638400xf32, #tpu.memory_space<vmem_shared>>
    tpu.wait_indirect_dma semaphore(%arg11 : memref<!tpu.dma_semaphore, #tpu.memory_space<semaphore_mem>>) src(%arg9 : memref<128xf32, #tpu.memory_space<vmem>>) dst(%dma_wait3A_287 : memref<1638400xf32, #tpu.memory_space<vmem_shared>>)
    %dma_wait3A_288 = arith.constant 3 : i32
    %dma_wait3A_289 = arith.constant 0 : i32
    %dma_wait3A_290 = tpu.memref_slice %arg8[%dma_wait3A_288, %dma_wait3A_289] : memref<25x128xi32, #tpu.memory_space<vmem>> -> memref<1x128xi32, #tpu.memory_space<vmem>>
    %dma_wait3A_291 = tpu.memref_squeeze %dma_wait3A_290 : memref<1x128xi32, #tpu.memory_space<vmem>> -> memref<128xi32, #tpu.memory_space<vmem>>
    %dma_wait3A_292 = arith.constant 0 : i32
    %dma_wait3A_293 = tpu.memref_slice %arg5[%dma_wait3A_292] : memref<1638400xf32, #tpu.memory_space<vmem_shared>> -> memref<1638400xf32, #tpu.memory_space<vmem_shared>>
    tpu.wait_indirect_dma semaphore(%arg11 : memref<!tpu.dma_semaphore, #tpu.memory_space<semaphore_mem>>) src(%arg9 : memref<128xf32, #tpu.memory_space<vmem>>) dst(%dma_wait3A_293 : memref<1638400xf32, #tpu.memory_space<vmem_shared>>)
    %dma_wait3A_294 = arith.constant 4 : i32
    %dma_wait3A_295 = arith.constant 0 : i32
    %dma_wait3A_296 = tpu.memref_slice %arg8[%dma_wait3A_294, %dma_wait3A_295] : memref<25x128xi32, #tpu.memory_space<vmem>> -> memref<1x128xi32, #tpu.memory_space<vmem>>
    %dma_wait3A_297 = tpu.memref_squeeze %dma_wait3A_296 : memref<1x128xi32, #tpu.memory_space<vmem>> -> memref<128xi32, #tpu.memory_space<vmem>>
    %dma_wait3A_298 = arith.constant 0 : i32
    %dma_wait3A_299 = tpu.memref_slice %arg5[%dma_wait3A_298] : memref<1638400xf32, #tpu.memory_space<vmem_shared>> -> memref<1638400xf32, #tpu.memory_space<vmem_shared>>
    tpu.wait_indirect_dma semaphore(%arg11 : memref<!tpu.dma_semaphore, #tpu.memory_space<semaphore_mem>>) src(%arg9 : memref<128xf32, #tpu.memory_space<vmem>>) dst(%dma_wait3A_299 : memref<1638400xf32, #tpu.memory_space<vmem_shared>>)
    %dma_wait3A_300 = arith.constant 5 : i32
    %dma_wait3A_301 = arith.constant 0 : i32
    %dma_wait3A_302 = tpu.memref_slice %arg8[%dma_wait3A_300, %dma_wait3A_301] : memref<25x128xi32, #tpu.memory_space<vmem>> -> memref<1x128xi32, #tpu.memory_space<vmem>>
    %dma_wait3A_303 = tpu.memref_squeeze %dma_wait3A_302 : memref<1x128xi32, #tpu.memory_space<vmem>> -> memref<128xi32, #tpu.memory_space<vmem>>
    %dma_wait3A_304 = arith.constant 0 : i32
    %dma_wait3A_305 = tpu.memref_slice %arg5[%dma_wait3A_304] : memref<1638400xf32, #tpu.memory_space<vmem_shared>> -> memref<1638400xf32, #tpu.memory_space<vmem_shared>>
    tpu.wait_indirect_dma semaphore(%arg11 : memref<!tpu.dma_semaphore, #tpu.memory_space<semaphore_mem>>) src(%arg9 : memref<128xf32, #tpu.memory_space<vmem>>) dst(%dma_wait3A_305 : memref<1638400xf32, #tpu.memory_space<vmem_shared>>)
    %dma_wait3A_306 = arith.constant 6 : i32
    %dma_wait3A_307 = arith.constant 0 : i32
    %dma_wait3A_308 = tpu.memref_slice %arg8[%dma_wait3A_306, %dma_wait3A_307] : memref<25x128xi32, #tpu.memory_space<vmem>> -> memref<1x128xi32, #tpu.memory_space<vmem>>
    %dma_wait3A_309 = tpu.memref_squeeze %dma_wait3A_308 : memref<1x128xi32, #tpu.memory_space<vmem>> -> memref<128xi32, #tpu.memory_space<vmem>>
    %dma_wait3A_310 = arith.constant 0 : i32
    %dma_wait3A_311 = tpu.memref_slice %arg5[%dma_wait3A_310] : memref<1638400xf32, #tpu.memory_space<vmem_shared>> -> memref<1638400xf32, #tpu.memory_space<vmem_shared>>
    tpu.wait_indirect_dma semaphore(%arg11 : memref<!tpu.dma_semaphore, #tpu.memory_space<semaphore_mem>>) src(%arg9 : memref<128xf32, #tpu.memory_space<vmem>>) dst(%dma_wait3A_311 : memref<1638400xf32, #tpu.memory_space<vmem_shared>>)
    %dma_wait3A_312 = arith.constant 7 : i32
    %dma_wait3A_313 = arith.constant 0 : i32
    %dma_wait3A_314 = tpu.memref_slice %arg8[%dma_wait3A_312, %dma_wait3A_313] : memref<25x128xi32, #tpu.memory_space<vmem>> -> memref<1x128xi32, #tpu.memory_space<vmem>>
    %dma_wait3A_315 = tpu.memref_squeeze %dma_wait3A_314 : memref<1x128xi32, #tpu.memory_space<vmem>> -> memref<128xi32, #tpu.memory_space<vmem>>
    %dma_wait3A_316 = arith.constant 0 : i32
    %dma_wait3A_317 = tpu.memref_slice %arg5[%dma_wait3A_316] : memref<1638400xf32, #tpu.memory_space<vmem_shared>> -> memref<1638400xf32, #tpu.memory_space<vmem_shared>>
    tpu.wait_indirect_dma semaphore(%arg11 : memref<!tpu.dma_semaphore, #tpu.memory_space<semaphore_mem>>) src(%arg9 : memref<128xf32, #tpu.memory_space<vmem>>) dst(%dma_wait3A_317 : memref<1638400xf32, #tpu.memory_space<vmem_shared>>)
    %dma_wait3A_318 = arith.constant 8 : i32
    %dma_wait3A_319 = arith.constant 0 : i32
    %dma_wait3A_320 = tpu.memref_slice %arg8[%dma_wait3A_318, %dma_wait3A_319] : memref<25x128xi32, #tpu.memory_space<vmem>> -> memref<1x128xi32, #tpu.memory_space<vmem>>
    %dma_wait3A_321 = tpu.memref_squeeze %dma_wait3A_320 : memref<1x128xi32, #tpu.memory_space<vmem>> -> memref<128xi32, #tpu.memory_space<vmem>>
    %dma_wait3A_322 = arith.constant 0 : i32
    %dma_wait3A_323 = tpu.memref_slice %arg5[%dma_wait3A_322] : memref<1638400xf32, #tpu.memory_space<vmem_shared>> -> memref<1638400xf32, #tpu.memory_space<vmem_shared>>
    tpu.wait_indirect_dma semaphore(%arg11 : memref<!tpu.dma_semaphore, #tpu.memory_space<semaphore_mem>>) src(%arg9 : memref<128xf32, #tpu.memory_space<vmem>>) dst(%dma_wait3A_323 : memref<1638400xf32, #tpu.memory_space<vmem_shared>>)
    %dma_wait3A_324 = arith.constant 9 : i32
    %dma_wait3A_325 = arith.constant 0 : i32
    %dma_wait3A_326 = tpu.memref_slice %arg8[%dma_wait3A_324, %dma_wait3A_325] : memref<25x128xi32, #tpu.memory_space<vmem>> -> memref<1x128xi32, #tpu.memory_space<vmem>>
    %dma_wait3A_327 = tpu.memref_squeeze %dma_wait3A_326 : memref<1x128xi32, #tpu.memory_space<vmem>> -> memref<128xi32, #tpu.memory_space<vmem>>
    %dma_wait3A_328 = arith.constant 0 : i32
    %dma_wait3A_329 = tpu.memref_slice %arg5[%dma_wait3A_328] : memref<1638400xf32, #tpu.memory_space<vmem_shared>> -> memref<1638400xf32, #tpu.memory_space<vmem_shared>>
    tpu.wait_indirect_dma semaphore(%arg11 : memref<!tpu.dma_semaphore, #tpu.memory_space<semaphore_mem>>) src(%arg9 : memref<128xf32, #tpu.memory_space<vmem>>) dst(%dma_wait3A_329 : memref<1638400xf32, #tpu.memory_space<vmem_shared>>)
    %dma_wait3A_330 = arith.constant 10 : i32
    %dma_wait3A_331 = arith.constant 0 : i32
    %dma_wait3A_332 = tpu.memref_slice %arg8[%dma_wait3A_330, %dma_wait3A_331] : memref<25x128xi32, #tpu.memory_space<vmem>> -> memref<1x128xi32, #tpu.memory_space<vmem>>
    %dma_wait3A_333 = tpu.memref_squeeze %dma_wait3A_332 : memref<1x128xi32, #tpu.memory_space<vmem>> -> memref<128xi32, #tpu.memory_space<vmem>>
    %dma_wait3A_334 = arith.constant 0 : i32
    %dma_wait3A_335 = tpu.memref_slice %arg5[%dma_wait3A_334] : memref<1638400xf32, #tpu.memory_space<vmem_shared>> -> memref<1638400xf32, #tpu.memory_space<vmem_shared>>
    tpu.wait_indirect_dma semaphore(%arg11 : memref<!tpu.dma_semaphore, #tpu.memory_space<semaphore_mem>>) src(%arg9 : memref<128xf32, #tpu.memory_space<vmem>>) dst(%dma_wait3A_335 : memref<1638400xf32, #tpu.memory_space<vmem_shared>>)
    %dma_wait3A_336 = arith.constant 11 : i32
    %dma_wait3A_337 = arith.constant 0 : i32
    %dma_wait3A_338 = tpu.memref_slice %arg8[%dma_wait3A_336, %dma_wait3A_337] : memref<25x128xi32, #tpu.memory_space<vmem>> -> memref<1x128xi32, #tpu.memory_space<vmem>>
    %dma_wait3A_339 = tpu.memref_squeeze %dma_wait3A_338 : memref<1x128xi32, #tpu.memory_space<vmem>> -> memref<128xi32, #tpu.memory_space<vmem>>
    %dma_wait3A_340 = arith.constant 0 : i32
    %dma_wait3A_341 = tpu.memref_slice %arg5[%dma_wait3A_340] : memref<1638400xf32, #tpu.memory_space<vmem_shared>> -> memref<1638400xf32, #tpu.memory_space<vmem_shared>>
    tpu.wait_indirect_dma semaphore(%arg11 : memref<!tpu.dma_semaphore, #tpu.memory_space<semaphore_mem>>) src(%arg9 : memref<128xf32, #tpu.memory_space<vmem>>) dst(%dma_wait3A_341 : memref<1638400xf32, #tpu.memory_space<vmem_shared>>)
    %dma_wait3A_342 = arith.constant 12 : i32
    %dma_wait3A_343 = arith.constant 0 : i32
    %dma_wait3A_344 = tpu.memref_slice %arg8[%dma_wait3A_342, %dma_wait3A_343] : memref<25x128xi32, #tpu.memory_space<vmem>> -> memref<1x128xi32, #tpu.memory_space<vmem>>
    %dma_wait3A_345 = tpu.memref_squeeze %dma_wait3A_344 : memref<1x128xi32, #tpu.memory_space<vmem>> -> memref<128xi32, #tpu.memory_space<vmem>>
    %dma_wait3A_346 = arith.constant 0 : i32
    %dma_wait3A_347 = tpu.memref_slice %arg5[%dma_wait3A_346] : memref<1638400xf32, #tpu.memory_space<vmem_shared>> -> memref<1638400xf32, #tpu.memory_space<vmem_shared>>
    tpu.wait_indirect_dma semaphore(%arg11 : memref<!tpu.dma_semaphore, #tpu.memory_space<semaphore_mem>>) src(%arg9 : memref<128xf32, #tpu.memory_space<vmem>>) dst(%dma_wait3A_347 : memref<1638400xf32, #tpu.memory_space<vmem_shared>>)
    %dma_wait3A_348 = arith.constant 13 : i32
    %dma_wait3A_349 = arith.constant 0 : i32
    %dma_wait3A_350 = tpu.memref_slice %arg8[%dma_wait3A_348, %dma_wait3A_349] : memref<25x128xi32, #tpu.memory_space<vmem>> -> memref<1x128xi32, #tpu.memory_space<vmem>>
    %dma_wait3A_351 = tpu.memref_squeeze %dma_wait3A_350 : memref<1x128xi32, #tpu.memory_space<vmem>> -> memref<128xi32, #tpu.memory_space<vmem>>
    %dma_wait3A_352 = arith.constant 0 : i32
    %dma_wait3A_353 = tpu.memref_slice %arg5[%dma_wait3A_352] : memref<1638400xf32, #tpu.memory_space<vmem_shared>> -> memref<1638400xf32, #tpu.memory_space<vmem_shared>>
    tpu.wait_indirect_dma semaphore(%arg11 : memref<!tpu.dma_semaphore, #tpu.memory_space<semaphore_mem>>) src(%arg9 : memref<128xf32, #tpu.memory_space<vmem>>) dst(%dma_wait3A_353 : memref<1638400xf32, #tpu.memory_space<vmem_shared>>)
    %dma_wait3A_354 = arith.constant 14 : i32
    %dma_wait3A_355 = arith.constant 0 : i32
    %dma_wait3A_356 = tpu.memref_slice %arg8[%dma_wait3A_354, %dma_wait3A_355] : memref<25x128xi32, #tpu.memory_space<vmem>> -> memref<1x128xi32, #tpu.memory_space<vmem>>
    %dma_wait3A_357 = tpu.memref_squeeze %dma_wait3A_356 : memref<1x128xi32, #tpu.memory_space<vmem>> -> memref<128xi32, #tpu.memory_space<vmem>>
    %dma_wait3A_358 = arith.constant 0 : i32
    %dma_wait3A_359 = tpu.memref_slice %arg5[%dma_wait3A_358] : memref<1638400xf32, #tpu.memory_space<vmem_shared>> -> memref<1638400xf32, #tpu.memory_space<vmem_shared>>
    tpu.wait_indirect_dma semaphore(%arg11 : memref<!tpu.dma_semaphore, #tpu.memory_space<semaphore_mem>>) src(%arg9 : memref<128xf32, #tpu.memory_space<vmem>>) dst(%dma_wait3A_359 : memref<1638400xf32, #tpu.memory_space<vmem_shared>>)
    %dma_wait3A_360 = arith.constant 15 : i32
    %dma_wait3A_361 = arith.constant 0 : i32
    %dma_wait3A_362 = tpu.memref_slice %arg8[%dma_wait3A_360, %dma_wait3A_361] : memref<25x128xi32, #tpu.memory_space<vmem>> -> memref<1x128xi32, #tpu.memory_space<vmem>>
    %dma_wait3A_363 = tpu.memref_squeeze %dma_wait3A_362 : memref<1x128xi32, #tpu.memory_space<vmem>> -> memref<128xi32, #tpu.memory_space<vmem>>
    %dma_wait3A_364 = arith.constant 0 : i32
    %dma_wait3A_365 = tpu.memref_slice %arg5[%dma_wait3A_364] : memref<1638400xf32, #tpu.memory_space<vmem_shared>> -> memref<1638400xf32, #tpu.memory_space<vmem_shared>>
    tpu.wait_indirect_dma semaphore(%arg11 : memref<!tpu.dma_semaphore, #tpu.memory_space<semaphore_mem>>) src(%arg9 : memref<128xf32, #tpu.memory_space<vmem>>) dst(%dma_wait3A_365 : memref<1638400xf32, #tpu.memory_space<vmem_shared>>)
    %dma_wait3A_366 = arith.constant 16 : i32
    %dma_wait3A_367 = arith.constant 0 : i32
    %dma_wait3A_368 = tpu.memref_slice %arg8[%dma_wait3A_366, %dma_wait3A_367] : memref<25x128xi32, #tpu.memory_space<vmem>> -> memref<1x128xi32, #tpu.memory_space<vmem>>
    %dma_wait3A_369 = tpu.memref_squeeze %dma_wait3A_368 : memref<1x128xi32, #tpu.memory_space<vmem>> -> memref<128xi32, #tpu.memory_space<vmem>>
    %dma_wait3A_370 = arith.constant 0 : i32
    %dma_wait3A_371 = tpu.memref_slice %arg5[%dma_wait3A_370] : memref<1638400xf32, #tpu.memory_space<vmem_shared>> -> memref<1638400xf32, #tpu.memory_space<vmem_shared>>
    tpu.wait_indirect_dma semaphore(%arg11 : memref<!tpu.dma_semaphore, #tpu.memory_space<semaphore_mem>>) src(%arg9 : memref<128xf32, #tpu.memory_space<vmem>>) dst(%dma_wait3A_371 : memref<1638400xf32, #tpu.memory_space<vmem_shared>>)
    %dma_wait3A_372 = arith.constant 17 : i32
    %dma_wait3A_373 = arith.constant 0 : i32
    %dma_wait3A_374 = tpu.memref_slice %arg8[%dma_wait3A_372, %dma_wait3A_373] : memref<25x128xi32, #tpu.memory_space<vmem>> -> memref<1x128xi32, #tpu.memory_space<vmem>>
    %dma_wait3A_375 = tpu.memref_squeeze %dma_wait3A_374 : memref<1x128xi32, #tpu.memory_space<vmem>> -> memref<128xi32, #tpu.memory_space<vmem>>
    %dma_wait3A_376 = arith.constant 0 : i32
    %dma_wait3A_377 = tpu.memref_slice %arg5[%dma_wait3A_376] : memref<1638400xf32, #tpu.memory_space<vmem_shared>> -> memref<1638400xf32, #tpu.memory_space<vmem_shared>>
    tpu.wait_indirect_dma semaphore(%arg11 : memref<!tpu.dma_semaphore, #tpu.memory_space<semaphore_mem>>) src(%arg9 : memref<128xf32, #tpu.memory_space<vmem>>) dst(%dma_wait3A_377 : memref<1638400xf32, #tpu.memory_space<vmem_shared>>)
    %dma_wait3A_378 = arith.constant 18 : i32
    %dma_wait3A_379 = arith.constant 0 : i32
    %dma_wait3A_380 = tpu.memref_slice %arg8[%dma_wait3A_378, %dma_wait3A_379] : memref<25x128xi32, #tpu.memory_space<vmem>> -> memref<1x128xi32, #tpu.memory_space<vmem>>
    %dma_wait3A_381 = tpu.memref_squeeze %dma_wait3A_380 : memref<1x128xi32, #tpu.memory_space<vmem>> -> memref<128xi32, #tpu.memory_space<vmem>>
    %dma_wait3A_382 = arith.constant 0 : i32
    %dma_wait3A_383 = tpu.memref_slice %arg5[%dma_wait3A_382] : memref<1638400xf32, #tpu.memory_space<vmem_shared>> -> memref<1638400xf32, #tpu.memory_space<vmem_shared>>
    tpu.wait_indirect_dma semaphore(%arg11 : memref<!tpu.dma_semaphore, #tpu.memory_space<semaphore_mem>>) src(%arg9 : memref<128xf32, #tpu.memory_space<vmem>>) dst(%dma_wait3A_383 : memref<1638400xf32, #tpu.memory_space<vmem_shared>>)
    %dma_wait3A_384 = arith.constant 19 : i32
    %dma_wait3A_385 = arith.constant 0 : i32
    %dma_wait3A_386 = tpu.memref_slice %arg8[%dma_wait3A_384, %dma_wait3A_385] : memref<25x128xi32, #tpu.memory_space<vmem>> -> memref<1x128xi32, #tpu.memory_space<vmem>>
    %dma_wait3A_387 = tpu.memref_squeeze %dma_wait3A_386 : memref<1x128xi32, #tpu.memory_space<vmem>> -> memref<128xi32, #tpu.memory_space<vmem>>
    %dma_wait3A_388 = arith.constant 0 : i32
    %dma_wait3A_389 = tpu.memref_slice %arg5[%dma_wait3A_388] : memref<1638400xf32, #tpu.memory_space<vmem_shared>> -> memref<1638400xf32, #tpu.memory_space<vmem_shared>>
    tpu.wait_indirect_dma semaphore(%arg11 : memref<!tpu.dma_semaphore, #tpu.memory_space<semaphore_mem>>) src(%arg9 : memref<128xf32, #tpu.memory_space<vmem>>) dst(%dma_wait3A_389 : memref<1638400xf32, #tpu.memory_space<vmem_shared>>)
    %dma_wait3A_390 = arith.constant 20 : i32
    %dma_wait3A_391 = arith.constant 0 : i32
    %dma_wait3A_392 = tpu.memref_slice %arg8[%dma_wait3A_390, %dma_wait3A_391] : memref<25x128xi32, #tpu.memory_space<vmem>> -> memref<1x128xi32, #tpu.memory_space<vmem>>
    %dma_wait3A_393 = tpu.memref_squeeze %dma_wait3A_392 : memref<1x128xi32, #tpu.memory_space<vmem>> -> memref<128xi32, #tpu.memory_space<vmem>>
    %dma_wait3A_394 = arith.constant 0 : i32
    %dma_wait3A_395 = tpu.memref_slice %arg5[%dma_wait3A_394] : memref<1638400xf32, #tpu.memory_space<vmem_shared>> -> memref<1638400xf32, #tpu.memory_space<vmem_shared>>
    tpu.wait_indirect_dma semaphore(%arg11 : memref<!tpu.dma_semaphore, #tpu.memory_space<semaphore_mem>>) src(%arg9 : memref<128xf32, #tpu.memory_space<vmem>>) dst(%dma_wait3A_395 : memref<1638400xf32, #tpu.memory_space<vmem_shared>>)
    %dma_wait3A_396 = arith.constant 21 : i32
    %dma_wait3A_397 = arith.constant 0 : i32
    %dma_wait3A_398 = tpu.memref_slice %arg8[%dma_wait3A_396, %dma_wait3A_397] : memref<25x128xi32, #tpu.memory_space<vmem>> -> memref<1x128xi32, #tpu.memory_space<vmem>>
    %dma_wait3A_399 = tpu.memref_squeeze %dma_wait3A_398 : memref<1x128xi32, #tpu.memory_space<vmem>> -> memref<128xi32, #tpu.memory_space<vmem>>
    %dma_wait3A_400 = arith.constant 0 : i32
    %dma_wait3A_401 = tpu.memref_slice %arg5[%dma_wait3A_400] : memref<1638400xf32, #tpu.memory_space<vmem_shared>> -> memref<1638400xf32, #tpu.memory_space<vmem_shared>>
    tpu.wait_indirect_dma semaphore(%arg11 : memref<!tpu.dma_semaphore, #tpu.memory_space<semaphore_mem>>) src(%arg9 : memref<128xf32, #tpu.memory_space<vmem>>) dst(%dma_wait3A_401 : memref<1638400xf32, #tpu.memory_space<vmem_shared>>)
    %dma_wait3A_402 = arith.constant 22 : i32
    %dma_wait3A_403 = arith.constant 0 : i32
    %dma_wait3A_404 = tpu.memref_slice %arg8[%dma_wait3A_402, %dma_wait3A_403] : memref<25x128xi32, #tpu.memory_space<vmem>> -> memref<1x128xi32, #tpu.memory_space<vmem>>
    %dma_wait3A_405 = tpu.memref_squeeze %dma_wait3A_404 : memref<1x128xi32, #tpu.memory_space<vmem>> -> memref<128xi32, #tpu.memory_space<vmem>>
    %dma_wait3A_406 = arith.constant 0 : i32
    %dma_wait3A_407 = tpu.memref_slice %arg5[%dma_wait3A_406] : memref<1638400xf32, #tpu.memory_space<vmem_shared>> -> memref<1638400xf32, #tpu.memory_space<vmem_shared>>
    tpu.wait_indirect_dma semaphore(%arg11 : memref<!tpu.dma_semaphore, #tpu.memory_space<semaphore_mem>>) src(%arg9 : memref<128xf32, #tpu.memory_space<vmem>>) dst(%dma_wait3A_407 : memref<1638400xf32, #tpu.memory_space<vmem_shared>>)
    %dma_wait3A_408 = arith.constant 23 : i32
    %dma_wait3A_409 = arith.constant 0 : i32
    %dma_wait3A_410 = tpu.memref_slice %arg8[%dma_wait3A_408, %dma_wait3A_409] : memref<25x128xi32, #tpu.memory_space<vmem>> -> memref<1x128xi32, #tpu.memory_space<vmem>>
    %dma_wait3A_411 = tpu.memref_squeeze %dma_wait3A_410 : memref<1x128xi32, #tpu.memory_space<vmem>> -> memref<128xi32, #tpu.memory_space<vmem>>
    %dma_wait3A_412 = arith.constant 0 : i32
    %dma_wait3A_413 = tpu.memref_slice %arg5[%dma_wait3A_412] : memref<1638400xf32, #tpu.memory_space<vmem_shared>> -> memref<1638400xf32, #tpu.memory_space<vmem_shared>>
    tpu.wait_indirect_dma semaphore(%arg11 : memref<!tpu.dma_semaphore, #tpu.memory_space<semaphore_mem>>) src(%arg9 : memref<128xf32, #tpu.memory_space<vmem>>) dst(%dma_wait3A_413 : memref<1638400xf32, #tpu.memory_space<vmem_shared>>)
    %dma_wait3A_414 = arith.constant 24 : i32
    %dma_wait3A_415 = arith.constant 0 : i32
    %dma_wait3A_416 = tpu.memref_slice %arg8[%dma_wait3A_414, %dma_wait3A_415] : memref<25x128xi32, #tpu.memory_space<vmem>> -> memref<1x128xi32, #tpu.memory_space<vmem>>
    %dma_wait3A_417 = tpu.memref_squeeze %dma_wait3A_416 : memref<1x128xi32, #tpu.memory_space<vmem>> -> memref<128xi32, #tpu.memory_space<vmem>>
    %dma_wait3A_418 = arith.constant 0 : i32
    %dma_wait3A_419 = tpu.memref_slice %arg5[%dma_wait3A_418] : memref<1638400xf32, #tpu.memory_space<vmem_shared>> -> memref<1638400xf32, #tpu.memory_space<vmem_shared>>
    tpu.wait_indirect_dma semaphore(%arg11 : memref<!tpu.dma_semaphore, #tpu.memory_space<semaphore_mem>>) src(%arg9 : memref<128xf32, #tpu.memory_space<vmem>>) dst(%dma_wait3A_419 : memref<1638400xf32, #tpu.memory_space<vmem_shared>>)
    %barrier3A_420 = arith.constant 0 : index
    tpu.barrier barrier_id(%barrier3A_420)
    %mul3A_421 = arith.constant 102400 : i32
    %mul3A_422 = arith.muli %arg1, %mul3A_421 : i32
    %mul3A_423 = arith.constant 102400 : i32
    %mul3A_424 = arith.muli %arg1, %mul3A_423 : i32
    "tpu.region"() ({
      %run_scoped3A = tpu.sem_alloc : memref<!tpu.dma_semaphore, #tpu.memory_space<semaphore_mem>>
      %dma_start3A_425 = tpu.memref_slice %arg4[%arg0, %mul3A_424] : memref<2x1638400xf32, #tpu.memory_space<hbm>> -> memref<1x102400xf32, #tpu.memory_space<hbm>>
      %dma_start3A_426 = tpu.memref_squeeze %dma_start3A_425 : memref<1x102400xf32, #tpu.memory_space<hbm>> -> memref<102400xf32, #tpu.memory_space<hbm>>
      %dma_start3A_427 = tpu.memref_slice %arg5[%mul3A_422] : memref<1638400xf32, #tpu.memory_space<vmem_shared>> -> memref<102400xf32, #tpu.memory_space<vmem_shared>>
      tpu.enqueue_dma source(%dma_start3A_427 : memref<102400xf32, #tpu.memory_space<vmem_shared>>) target(%dma_start3A_426 : memref<102400xf32, #tpu.memory_space<hbm>>) target_semaphore(%run_scoped3A : memref<!tpu.dma_semaphore, #tpu.memory_space<semaphore_mem>>)
      %dma_wait3A_428 = tpu.memref_slice %arg4[%arg0, %mul3A_424] : memref<2x1638400xf32, #tpu.memory_space<hbm>> -> memref<1x102400xf32, #tpu.memory_space<hbm>>
      %dma_wait3A_429 = tpu.memref_squeeze %dma_wait3A_428 : memref<1x102400xf32, #tpu.memory_space<hbm>> -> memref<102400xf32, #tpu.memory_space<hbm>>
      %dma_wait3A_430 = tpu.memref_slice %arg5[%mul3A_422] : memref<1638400xf32, #tpu.memory_space<vmem_shared>> -> memref<102400xf32, #tpu.memory_space<vmem_shared>>
      tpu.wait_dma2 semaphore(%run_scoped3A : memref<!tpu.dma_semaphore, #tpu.memory_space<semaphore_mem>>) src(%dma_wait3A_430 : memref<102400xf32, #tpu.memory_space<vmem_shared>>) dst(%dma_wait3A_429 : memref<102400xf32, #tpu.memory_space<hbm>>)
      tpu.yield
    }) : () -> ()
    return
  }
}

</mosaic_0001>

<sc_bundles>
// kernel: _sc_counts.3.cloned.1.call-start
scs
__scs_entry_jumppad:
0x0: {  	(pc) =	sbr.rel $0x88, $3  }
0x1: {  	(tag) =	ssettag $0x0;
	lr =	simm.s32 $0x1  }
0x2: {  	[smem:$0x3F9F] =	sst lr;
	_ =	strace $0xD0000000  }
0x3: {  	_ = 	snop  }
0x4: {  	_ = 	snop  }
0x5: {  	_ = 	snop  }
0x6: {  	_ = 	snop  }
0x7: {  	_ = 	snop  }
__scs_overlays_trampoline_lowered:
0x8: {  	[smem:$0x3FAE] =	sst s0  }
0x9: {  	[smem:$0x3FAF] =	sst s1  }
0xa: {  	[smem:$0x3FB0] =	sst s2  }
0xb: {  	[smem:$0x3FB1] =	sst s3  }
0xc: {  	[smem:$0x3FB2] =	sst s4  }
0xd: {  	[smem:$0x3FB3] =	sst s5  }
0xe: {  	[smem:$0x3FB4] =	sst s6  }
0xf: {  	[smem:$0x3FB5] =	sst s7  }
0x10: {  	[smem:$0x3FB6] =	sst s8  }
0x11: {  	[smem:$0x3FB7] =	sst s9;
	s0 =	simm.s32 @!p0 $0x0  }
0x12: {  	s1 =	sld [smem:$0x3F9D];
	s0 =	simm.s32 @p0 $0x1  }
0x13: {  	[smem:$0x3FB8] =	sst s0;
	s0 =	simm.s32 @!p1 $0x0  }
0x14: {  	s2 =	sld [smem:$0x3F9C];
	s0 =	simm.s32 @p1 $0x1  }
0x15: {  	[smem:$0x3FB9] =	sst s0;
	s0 =	simm.s32 @!p2 $0x0  }
0x16: {  	s3 =	sld [smem:$0x3FDB];
	s0 =	simm.s32 @p2 $0x1  }
0x17: {  	s4 =	simm.s32 $0x1BF5;
	[smem:$0x3FBB] =	sst s0  }
0x18: {  	s0 =	sld [smem:$0x3F9E];
	_ =	swait.ge [sflag:s4], $0x0  }
0x19: {  	s7 =	sld [smem:$0x3F9F]  }
0x1a: {  	s8 =	sadd.s32 $0xFFFFE003, lr  }
0x1b: {  	s9 =	sadd.s32 $0xFFFFFEF7, lr;
	s5 =	simm.s32 $0xFFFFFFFF;
	p2 =	slt.u32 s8, $0xFFFFF086  }
0x1c: {  	p1 =	slt.u32 s9, $0xF7A;
	s5 =	simm.s32 @!p2 $0x0  }
0x1d: {  	s5 =	simm.s32 @p1 $0x1;
	p0 =	seq.s32 s7, s2  }
0x1e: {  	s7 =	smul.u32 @!p0 $0xF7A, s2;
	p2 =	seq.s32 @!p0 s5, $0x0  }
0x1f: {  	s9 =	smul.u32 $0xF7A, s1;
	s8 =	simm.s32 @!p0 $0x1BF5;
	p2 =	por !p2, p0  }
0x20: {  	[sflag:s8] =	ssyncset.s32 @!p0 $0xFFFFF086;
	s6 =	sadd.s32 @!p0 s3, s7;
	s7 =	simm.s32 @!p0 $0x108  }
0x21: {  	s3 =	sadd.s32 s3, s9;
	s6 =	sadd.s32 @!p0 $0x88, s6;
	s7 =	simm.s32 @p2 $0x1082  }
0x22: {  	[simem:s7], [sflag:s8] =	dma.local @!p0 [hbm:s6], $0xF7A  }
0x23: {  	s9 =	sor.u32 $0xD0000000, s2;
	s6 =	simm.s32 $0x108;
	_ =	swait.ge @!p0 [sflag:s8], $0x0  }
0x24: {  	s3 =	sadd.s32 $0x88, s3;
	s6 =	simm.s32 @!p1 $0x1082;
	[sflag:s4] =	ssyncset.s32 $0xFFFFF086  }
0x25: {  	[simem:s6], [sflag:s4] =	dma.local [hbm:s3], $0xF7A  }
0x26: {  	[smem:$0x3F9F] =	sst s1;
	(tag) =	ssettag s2;
	_ =	strace s9  }
0x27: {  	s1 =	sld [smem:$0x3FAF]  }
0x28: {  	s2 =	sld [smem:$0x3FB0]  }
0x29: {  	s4 =	sld [smem:$0x3FB2]  }
0x2a: {  	p0 =	seq.s32 s5, $0x0;
	s5 =	sld [smem:$0x3FB3]  }
0x2b: {  	s6 =	sld [smem:$0x3FB4]  }
0x2c: {  	s7 =	sld [smem:$0x3FB5]  }
0x2d: {  	s3 =	simm.s32 $0x108;
	s8 =	sld [smem:$0x3FB6]  }
0x2e: {  	s3 =	simm.s32 @!p0 $0x1082;
	s9 =	sld [smem:$0x3FB7]  }
0x2f: {  	lr =	sadd.s32 s0, s3;
	s0 =	sld [smem:$0x3FAE]  }
0x30: {  	s3 =	sld [smem:$0x3FB1]  }
0x31: {  	[smem:$0x3FBA] =	sst s10  }
0x32: {  	s10 =	sld [smem:$0x3FB8];
	_ =	sdelay $0x3  }
0x33: {  	p0 =	seq.s32 s10, $0x1;
	s10 =	sld [smem:$0x3FBA];
	_ =	sdelay $0x3  }
0x34: {  	[smem:$0x3FBA] =	sst s10  }
0x35: {  	s10 =	sld [smem:$0x3FB9];
	_ =	sdelay $0x3  }
0x36: {  	p1 =	seq.s32 s10, $0x1;
	s10 =	sld [smem:$0x3FBA];
	_ =	sdelay $0x3  }
0x37: {  	[smem:$0x3FBA] =	sst s10  }
0x38: {  	s10 =	sld [smem:$0x3FBB]  }
0x39: {  	_ = 	snop;
	(pc) =	sbr.ind lr, $3  }
0x3a: {  	_ = 	snop  }
0x3b: {  	_ = 	snop  }
0x3c: {  	p2 =	seq.s32 s10, $0x1;
	s10 =	sld [smem:$0x3FBA]  }
0x3d: {  	_ =	shalt  }
0x3e: {  	_ =	shalt  }
0x3f: {  	_ =	shalt  }
0x40: {  	_ =	shalt  }
0x41: {  	_ =	shalt  }
0x42: {  	_ =	shalt  }
0x43: {  	_ =	shalt  }
0x44: {  	_ =	shalt  }
0x45: {  	_ =	shalt  }
0x46: {  	_ =	shalt  }
0x47: {  	_ =	shalt  }
0x48: {  	_ =	shalt  }
0x49: {  	_ =	shalt  }
0x4a: {  	_ =	shalt  }
0x4b: {  	_ =	shalt  }
0x4c: {  	_ =	shalt  }
0x4d: {  	_ =	shalt  }
0x4e: {  	_ =	shalt  }
0x4f: {  	_ =	shalt  }
0x50: {  	_ =	shalt  }
0x51: {  	_ =	shalt  }
0x52: {  	_ =	shalt  }
0x53: {  	_ =	shalt  }
0x54: {  	_ =	shalt  }
0x55: {  	_ =	shalt  }
0x56: {  	_ =	shalt  }
0x57: {  	_ =	shalt  }
0x58: {  	_ =	shalt  }
0x59: {  	_ =	shalt  }
0x5a: {  	_ =	shalt  }
0x5b: {  	_ =	shalt  }
0x5c: {  	_ =	shalt  }
0x5d: {  	_ =	shalt  }
0x5e: {  	_ =	shalt  }
0x5f: {  	_ =	shalt  }
0x60: {  	_ =	shalt  }
0x61: {  	_ =	shalt  }
0x62: {  	_ =	shalt  }
0x63: {  	_ =	shalt  }
0x64: {  	_ =	shalt  }
0x65: {  	_ =	shalt  }
0x66: {  	_ =	shalt  }
0x67: {  	_ =	shalt  }
0x68: {  	_ =	shalt  }
0x69: {  	_ =	shalt  }
0x6a: {  	_ =	shalt  }
0x6b: {  	_ =	shalt  }
0x6c: {  	_ =	shalt  }
0x6d: {  	_ =	shalt  }
0x6e: {  	_ =	shalt  }
0x6f: {  	_ =	shalt  }
0x70: {  	_ =	shalt  }
0x71: {  	_ =	shalt  }
0x72: {  	_ =	shalt  }
0x73: {  	_ =	shalt  }
0x74: {  	_ =	shalt  }
0x75: {  	_ =	shalt  }
0x76: {  	_ =	shalt  }
0x77: {  	_ =	shalt  }
0x78: {  	_ =	shalt  }
0x79: {  	_ =	shalt  }
0x7a: {  	_ =	shalt  }
0x7b: {  	_ =	shalt  }
0x7c: {  	_ =	shalt  }
0x7d: {  	_ =	shalt  }
0x7e: {  	_ =	shalt  }
0x7f: {  	_ =	shalt  }
0x80: {  	_ =	shalt  }
0x81: {  	_ =	shalt  }
0x82: {  	_ =	shalt  }
0x83: {  	_ =	shalt  }
0x84: {  	_ =	shalt  }
0x85: {  	_ =	shalt  }
0x86: {  	_ =	shalt  }
0x87: {  	_ =	shalt  }
.Lfunc_end0:
.L_simem_size_0:
called_computation_lowered:
.L_overlay_start_0:
0x88: {  	s2 =	sld [smem:$0x3FD9]  }
0x89: {  	s3 =	sld [smem:$0x3FFE];
	_ =	sdelay $0x1  }
0x8a: {  	s1 =	srdreg.scid  }
0x8b: {  	s0 =	sand.u32 $0x1, s1  }
0x8c: {  	s18 =	sshll.u32 s0, $0xA;
	s2 =	sadd.s32 s3, s2  }
0x8d: {  	s2 =	sadd.s32 s2, s18  }
0x8e: {  	[smem:$0x3FC6] =	sst s2  }
0x8f: {  	_ = 	snop  }
0x90: {  	s2 =	sld [smem:$0x3FC9]  }
0x91: {  	s19 =	sld [smem:$0x3FC8]  }
0x92: {  	s4 =	sld [smem:$0x3FD0];
	(tm) =	ssettm $0x1  }
0x93: {  	s5 =	sld [smem:$0x3FFB];
	_ =	sdelay $0x3  }
0x94: {  	_ =	strace s5  }
0x95: {  	s5 =	sld [smem:$0x3FFC];
	_ =	sdelay $0x3  }
0x96: {  	_ =	strace s5  }
0x97: {  	s5 =	sld [smem:$0x3FFD];
	_ =	sdelay $0x3  }
0x98: {  	_ =	strace s5  }
0x99: {  	_ =	strace $0x8FFFFFFF  }
0x9a: {  	s20 =	sld [smem:$0x3FDB];
	_ =	sdelay $0x1  }
0x9b: {  	s6 =	simm.s32 $_scs_section_size  }
0x9c: {  	s7 =	simm.s32 $_size__tile_overlayer_lowered;
	s8 =	simm.s32 $_tile_overlayer_lowered  }
0x9d: {  	s23 =	simm.s32 $0x1BFF;
	s22 =	sshll.u32 s8, $0x1;
	s5 =	sadd.s32 s6, s20  }
0x9e: {  	s9 =	simm.s32 $0x0;
	s21 =	sshll.u32 s7, $0x1;
	s7 =	sadd.s32 s22, s5  }
0x9f: {  	[timem:s9], [sflag:s23] =	dma.local [hbm:s7], s21  }
0xa0: {  	_ =	swait.ge [sflag:s23], s21  }
0xa1: {  	s6 =	ssub.s32 $0x0, s21;
	[sflag:s23] =	ssyncset.done $0x0  }
0xa2: {  	[sflag:s23] =	ssyncadd.s32 s6;
	_ =	sdelay $0x1  }
0xa3: {  	s24 =	simm.s32 $0x1B8B  }
0xa4: {  	_ =	swait.ge [sflag:s24], $0x1  }
0xa5: {  	[sflag:s24] =	ssyncset.done $0x0  }
0xa6: {  	s25 =	simm.s32 $0x1B8E;
	[sflag:s24] =	ssyncadd.s32 $0xFFFFFFFF  }
0xa7: {  	s26 =	simm.s32 $execute0_lowered;
	[smem:$0x3FD2] =	sst s25  }
0xa8: {  	s6 =	sshll.u32 s26, $0x1;
	_ =	strace $0x80000046;
	[dreg:$0x1] =	wrdreg $0xFFFFFFFF  }
0xa9: {  	s28 =	simm.s32 $_size_execute0_lowered;
	s5 =	sadd.s32 s5, s6;
	[dreg:$0x0] =	wrdreg $0x0  }
0xaa: {  	s6 =	sshll.u32 s28, $0x1;
	[dreg:$0x2] =	wrdreg s5  }
0xab: {  	[dreg:$0x3] =	wrdreg s6  }
0xac: {  	[dreg:$0x4] =	wrdreg $0xC0  }
0xad: {  	_ =	task [dreg:s9], $0x5FFFF  }
0xae: {  	[dreg:$0x1] =	wrdreg $0xFFFFFFFF  }
0xaf: {  	[dreg:$0x0] =	wrdreg $0x60  }
0xb0: {  	[dreg:$0x2] =	wrdreg s2  }
0xb1: {  	[dreg:$0x3] =	wrdreg s19  }
0xb2: {  	[dreg:$0x4] =	wrdreg s4  }
0xb3: {  	[dreg:$0x5] =	wrdreg $0x0  }
0xb4: {  	[dreg:$0x6] =	wrdreg $0x9  }
0xb5: {  	_ =	task.clear_ibuf [dreg:s9], $0x7FFFF;
	_ =	strace $0x90000046  }
0xb6: {  	s29 =	simm.s32 $0x9;
	_ =	strace $0x80000048  }
0xb7: {  	_ =	swait.ge [sflag:s29], $0x1  }
0xb8: {  	[sflag:s29] =	ssyncadd.s32 $0xFFFFFFFF  }
0xb9: {  	_ =	strace $0x90000048  }
0xba: {  	_ =	sfence  }
0xbb: {  	s30 =	sld [smem:$0x0];
	_ =	sdelay $0x2  }
0xbc: {  	s31 =	sshll.u32 s1, $0xD;
	s1 =	sshrl.u32 s1, $0x2  }
0xbd: {  	s3 =	sand.u32 $0x4000, s31;
	s1 =	sadd.s32 s1, s30  }
0xbe: {  	s0 =	sor.u32 s3, s0;
	s1 =	sshll.u32 s1, $0x11  }
0xbf: {  	s0 =	sor.u32 s1, s0  }
0xc0: {  	s0 =	sadd.s32 $0x8F2B, s0  }
0xc1: {  	[sflag:s0] =	ssyncadd.remote.s32 $0x1  }
0xc2: {  	_ =	sfence.sel $0xFFFF  }
0xc3: {  	[dreg:$0x0] =	wrdreg $0xFFFFFFFF;
	(pc) =	sbr.abs _section_cstart, $3  }
0xc4: {  	[dreg:$0x1] =	wrdreg $0xFFFFFFFF  }
0xc5: {  	_ =	task.clear_ibuf [dreg:s9], $0x2FFFF;
	_ =	strace $0x9FFFFFFF  }
0xc6: {  	(tm) =	ssettm $0x7FFFFFFF  }
0xc7: {  	_ =	shalt  }
tec
execute0_lowered:
.L_overlay_start_1:
0x0: {  	(tag) =	ssettag $0x1  }
0x1: {  	s0 =	rddreg [dreg:$0x0]  }
0x2: {  	s1 =	rddreg [dreg:$0x1]  }
0x3: {  	s14 =	rddreg [dreg:$0x2]  }
0x4: {  	s2 =	rddreg [dreg:$0x3]  }
0x5: {  	s8 =	stileid.u32;
	s3 =	simm.s32 $0x0;
	s4 =	srdreg.scid  }
0x6: {  	s19 =	simm.s32 $0x1;
	s20 =	simm.s32 $0x2;
	s21 =	simm.s32 $0x80  }
0x7: {  	s23 =	simm.s32 $0x1B900;
	s18 =	simm.s32 $0x1B380;
	s22 =	simm.s32 $0x1B400  }
0x8: {  	s24 =	simm.s32 $0x1B480;
	s25 =	simm.s32 $0x1B500;
	s5 =	smul.u32 $0x64000, s8  }
0x9: {  	s26 =	simm.s32 $0x20;
	s28 =	simm.s32 $0x3;
	s12 =	smul.u32 $0xC80, s8  }
0xa: {  	[smem:$0x7FF] =	sst s3;
	s10 =	sand.u32 $0x1, s4;
	s13 =	smul.u32 $0x32000, s8  }
0xb: {  	_ =	strace $0x80000047;
	s6 =	ssub.s32 $0x2, s10;
	s11 =	smul.u32 $0xC800, s10  }
0xc: {  	s16 =	sshll.u32 s10, $0x7;
	s29 =	sshrl.u32 s5, $0x2;
	s30 =	sshrl.u32 s6, $0x1  }
0xd: {  	s13 =	sor.u32 s16, s13;
	s16 =	simm.s32 $0x1B980;
	s4 =	sadd.s32 s29, s2  }
0xe: {  	s15 =	ssub.s32 s6, s30;
	s12 =	sadd.s32 s12, s11;
	s17 =	sshrl.u32 s13, $0x3  }
0xf: {  	s5 =	sadd.s32 $0x3200, s4;
	s6 =	sadd.s32 $0x6400, s4;
	s7 =	sadd.s32 $0x9600, s4  }
0x10: {  	s8 =	sadd.s32 $0xC800, s4;
	s9 =	sadd.s32 $0xFA00, s4;
	s10 =	sadd.s32 $0x12C00, s4  }
0x11: {  	s11 =	sadd.s32 $0x15E00, s4;
	s31 =	sshrl.u32 s12, $0x3;
	s14 =	sadd.s32 s14, s17  }
0x12: {  	s15 =	smax.u32 s15, $0x1;
	s17 =	simm.s32 $0x1B300;
	s12 =	sadd.s32 s0, s31  }
0x13: {  	v0 =	vimm.f32 $0.0e+00;
	v1 =	vimm.f32 $1.000000000e+00;
	s13 =	sadd.s32 s1, s31;
	s0 =	simm.s32 $0x1B280;
	s1 =	simm.s32 $0x10  }
.LBB2_1:
0x14: {  	s29 =	simm.s32 $0x40;
	s30 =	simm.s32 $0x0  }
.LBB2_2:
0x15: {  	p0 =	sne.s32 s29, $0xC7C0;
	[tilespmem:s30+$0x1B980] =	vst v0;
	s30 =	smov.u32 s29;
	s29 =	sadd.s32 $0x40, s29  }
.Ltmp0:
0x16: {  	(pc) =	sbr.rel @p0 .LBB2_2-.Ltmp0, $2  }
0x17: {  	_ =	sdelay $0x2  }
0x18: {  	s30 =	sshra.s32 s30, $0x2  }
0x19: {  	[tilespmem:s30+$0x1B980] =	vst v0  }
0x1a: {  	[tilespmem:$0x1B900] =	vst v1  }
0x1b: {  	[tilespmem:$0x1B910] =	vst v1  }
0x1c: {  	[tilespmem:$0x1B920] =	vst v1  }
0x1d: {  	[tilespmem:$0x1B930] =	vst v1  }
0x1e: {  	[tilespmem:$0x1B940] =	vst v1  }
0x1f: {  	[tilespmem:$0x1B950] =	vst v1  }
0x20: {  	[tilespmem:$0x1B960] =	vst v1  }
0x21: {  	[tilespmem:$0x1B970] =	vst v1  }
0x22: {  	[spmem:s4] =	stream.linear.scatter [tilespmem:s16], [sflag:$0x2], $0x3200, $0x38;
	[tilespmem:$0x1EB80] =	vst v63  }
0x23: {  	_ = 	snop  }
0x24: {  	[spmem:s5] =	stream.linear.scatter [tilespmem:s16], [sflag:$0x2], $0x3200, $0x38;
	[tilespmem:$0x1EB80] =	vst v63  }
0x25: {  	_ = 	snop  }
0x26: {  	[spmem:s6] =	stream.linear.scatter [tilespmem:s16], [sflag:$0x2], $0x3200, $0x38;
	[tilespmem:$0x1EB80] =	vst v63  }
0x27: {  	_ = 	snop  }
0x28: {  	[spmem:s7] =	stream.linear.scatter [tilespmem:s16], [sflag:$0x2], $0x3200, $0x38;
	[tilespmem:$0x1EB80] =	vst v63  }
0x29: {  	_ = 	snop  }
0x2a: {  	[spmem:s8] =	stream.linear.scatter [tilespmem:s16], [sflag:$0x2], $0x3200, $0x38;
	[tilespmem:$0x1EB80] =	vst v63  }
0x2b: {  	_ = 	snop  }
0x2c: {  	[spmem:s9] =	stream.linear.scatter [tilespmem:s16], [sflag:$0x2], $0x3200, $0x38;
	[tilespmem:$0x1EB80] =	vst v63  }
0x2d: {  	_ = 	snop  }
0x2e: {  	[spmem:s10] =	stream.linear.scatter [tilespmem:s16], [sflag:$0x2], $0x3200, $0x38;
	[tilespmem:$0x1EB80] =	vst v63  }
0x2f: {  	_ = 	snop  }
0x30: {  	[spmem:s11] =	stream.linear.scatter [tilespmem:s16], [sflag:$0x2], $0x3200, $0x38;
	[tilespmem:$0x1EB80] =	vst v63  }
0x31: {  	s29 =	simm.s32 $0x0;
	s30 =	simm.s32 $0x19000  }
0x32: {  	[tilespmem:s30], [sflag:$0x1] =	stream.linear.gather [hbm4b:s12+s29], $0xC80, $0x38;
	[tilespmem:$0x1EB80] =	vst v63  }
0x33: {  	s30 =	simm.s32 $0x19C80  }
0x34: {  	[tilespmem:s30], [sflag:$0x1] =	stream.linear.gather [hbm4b:s13+s29], $0xC80, $0x38;
	[tilespmem:$0x1EB80] =	vst v63  }
0x35: {  	_ =	swait.ge [sflag:s19], $0xC80  }
0x36: {  	[sflag:s19] =	ssyncset.done $0x0  }
0x37: {  	[sflag:s19] =	ssyncadd.s32 $0xFFFFF380  }
0x38: {  	_ =	swait.ge [sflag:s19], $0xC80  }
0x39: {  	[sflag:s19] =	ssyncset.done $0x0  }
0x3a: {  	s29 =	simm.s32 $0x0;
	[sflag:s19] =	ssyncadd.s32 $0xFFFFF380  }
0x3b: {  	v3 =	vld [tilespmem:s29+$0x19070]  }
0x3c: {  	v2 =	vld [tilespmem:s29+$0x19000]  }
0x3d: {  	v4 =	vld [tilespmem:s29+$0x19CF0]  }
0x3e: {  	v5 =	vld [tilespmem:s29+$0x19010]  }
0x3f: {  	v6 =	vld [tilespmem:s29+$0x19020]  }
0x40: {  	v21 =	vld [tilespmem:s29+$0x19C80]  }
0x41: {  	v7 =	vld [tilespmem:s29+$0x19030]  }
0x42: {  	v16 =	vld [tilespmem:s29+$0x19040];
	v8 =	vshrl.u32 v3, $0x7;
	v9 =	vshrl.u32 v2, $0x7;
	v2 =	vand.u32 $0x7F, v2  }
0x43: {  	v23 =	vld [tilespmem:s29+$0x19C90];
	v4 =	vshll.u32 v4, $0x7;
	v3 =	vand.u32 $0x7F, v3;
	v13 =	vand.u32 $0x7F, v5  }
0x44: {  	v18 =	vld [tilespmem:s29+$0x19050];
	v8 =	vmul.u32 $0x28000, v8;
	v20 =	vmul.u32 $0x28000, v9;
	v9 =	vshrl.u32 v5, $0x7  }
0x45: {  	v22 =	vld [tilespmem:s29+$0x19060];
	v14 =	vand.u32 $0x7F, v6;
	v21 =	vshll.u32 v21, $0x7;
	v10 =	vmul.u32 $0x28000, v9  }
0x46: {  	v9 =	vand.u32 $0x7F, v7;
	v4 =	vadd.s32 v4, v8;
	v8 =	vshrl.u32 v6, $0x7  }
0x47: {  	v19 =	vld [tilespmem:s29+$0x19CA0];
	v6 =	vand.u32 $0x7F, v16;
	v21 =	vadd.s32 v21, v20;
	v3 =	vor.u32 v3, v4  }
0x48: {  	v17 =	vld [tilespmem:s29+$0x19CB0];
	v20 =	vshll.u32 v23, $0x7;
	v11 =	vmul.u32 $0x28000, v8;
	[tilespmem:s29+$0x1A970] =	vst v3;
	v3 =	vshrl.u32 v16, $0x7  }
0x49: {  	v15 =	vld [tilespmem:s29+$0x19CC0];
	v4 =	vshrl.u32 v7, $0x7;
	v8 =	vmul.u32 $0x28000, v3;
	v3 =	vshrl.u32 v18, $0x7  }
0x4a: {  	v7 =	vand.u32 $0x7F, v18;
	v16 =	vld [tilespmem:s29+$0x19CD0];
	v5 =	vmul.u32 $0x28000, v3;
	v3 =	vshrl.u32 v22, $0x7  }
0x4b: {  	s31 =	simm.s32 $0x400;
	s30 =	simm.s32 $0x80;
	v12 =	vmul.u32 $0x28000, v4;
	v18 =	vld [tilespmem:s29+$0x19CE0];
	v4 =	vmul.u32 $0x28000, v3;
	v3 =	vand.u32 $0x7F, v22  }
.LBB2_4:
0x4c: {  	p0 =	sne.s32 s31, $0x3000;
	v22 =	vld [tilespmem:s30+$0x19070];
	v2 =	vor.u32 v2, v21;
	v10 =	vadd.s32 v20, v10;
	v19 =	vshll.u32 v19, $0x7  }
0x4d: {  	v20 =	vld [tilespmem:s30+$0x19000];
	[tilespmem:s29+$0x1A900] =	vst v2;
	v2 =	vor.u32 v13, v10;
	v10 =	vadd.s32 v19, v11;
	v11 =	vshll.u32 v17, $0x7  }
0x4e: {  	v13 =	vld [tilespmem:s30+$0x19CF0];
	[tilespmem:s29+$0x1A910] =	vst v2;
	v2 =	vor.u32 v14, v10;
	v10 =	vadd.s32 v11, v12;
	v11 =	vshll.u32 v15, $0x7  }
0x4f: {  	v12 =	vld [tilespmem:s30+$0x19010];
	[tilespmem:s29+$0x1A920] =	vst v2;
	v2 =	vor.u32 v9, v10;
	v8 =	vadd.s32 v11, v8;
	v9 =	vshll.u32 v16, $0x7  }
0x50: {  	v14 =	vld [tilespmem:s30+$0x19020];
	[tilespmem:s29+$0x1A930] =	vst v2;
	v2 =	vor.u32 v6, v8;
	v5 =	vadd.s32 v9, v5;
	v6 =	vshll.u32 v18, $0x7  }
0x51: {  	v8 =	vld [tilespmem:s30+$0x19030];
	v9 =	vshrl.u32 v22, $0x7;
	[tilespmem:s29+$0x1A940] =	vst v2;
	v5 =	vor.u32 v7, v5;
	v4 =	vadd.s32 v6, v4  }
0x52: {  	v6 =	vshrl.u32 v20, $0x7;
	v2 =	vand.u32 $0x7F, v20;
	v7 =	vld [tilespmem:s30+$0x19040];
	v9 =	vmul.u32 $0x28000, v9;
	[tilespmem:s29+$0x1A950] =	vst v5  }
0x53: {  	v3 =	vor.u32 v3, v4;
	v18 =	vmul.u32 $0x28000, v6;
	v20 =	vld [tilespmem:s30+$0x19050];
	v5 =	vshll.u32 v13, $0x7  }
0x54: {  	v6 =	vand.u32 $0x7F, v22;
	v4 =	vshrl.u32 v12, $0x7;
	v23 =	vld [tilespmem:s30+$0x19060];
	v5 =	vadd.s32 v5, v9;
	[tilespmem:s29+$0x1A960] =	vst v3;
	s29 =	smov.u32 s30  }
0x55: {  	v3 =	vld [tilespmem:s29+$0x19C80];
	v10 =	vmul.u32 $0x28000, v4;
	v4 =	vshrl.u32 v14, $0x7;
	v5 =	vor.u32 v6, v5  }
0x56: {  	v13 =	vand.u32 $0x7F, v12;
	v22 =	vld [tilespmem:s29+$0x19C90];
	v11 =	vmul.u32 $0x28000, v4;
	v4 =	vshrl.u32 v8, $0x7;
	[tilespmem:s29+$0x1A970] =	vst v5  }
.Ltmp1:
0x57: {  	v14 =	vand.u32 $0x7F, v14;
	v19 =	vld [tilespmem:s29+$0x19CA0];
	v12 =	vmul.u32 $0x28000, v4;
	v4 =	vshrl.u32 v7, $0x7;
	(pc) =	sbr.rel @p0 .LBB2_4-.Ltmp1, $4  }
0x58: {  	v9 =	vand.u32 $0x7F, v8;
	v17 =	vld [tilespmem:s29+$0x19CB0];
	v8 =	vmul.u32 $0x28000, v4;
	v4 =	vshrl.u32 v20, $0x7  }
0x59: {  	v6 =	vand.u32 $0x7F, v7;
	v15 =	vld [tilespmem:s29+$0x19CC0];
	v5 =	vmul.u32 $0x28000, v4;
	v4 =	vshrl.u32 v23, $0x7  }
0x5a: {  	v7 =	vand.u32 $0x7F, v20;
	v3 =	vshll.u32 v3, $0x7;
	v16 =	vld [tilespmem:s29+$0x19CD0];
	v4 =	vmul.u32 $0x28000, v4  }
0x5b: {  	s30 =	sshra.s32 s31, $0x2;
	s31 =	sadd.s32 $0x200, s31;
	v21 =	vadd.s32 v3, v18;
	v20 =	vshll.u32 v22, $0x7;
	v18 =	vld [tilespmem:s29+$0x19CE0];
	v3 =	vand.u32 $0x7F, v23  }
0x5c: {  	v22 =	vld [tilespmem:s30+$0x19070];
	v2 =	vor.u32 v2, v21  }
0x5d: {  	v32 =	vld [tilespmem:s30+$0x19000];
	v10 =	vadd.s32 v20, v10;
	[tilespmem:s29+$0x1A900] =	vst v2;
	v2 =	vshll.u32 v19, $0x7  }
0x5e: {  	v10 =	vor.u32 v13, v10;
	v2 =	vadd.s32 v2, v11  }
0x5f: {  	v34 =	vshll.u32 v17, $0x7;
	v33 =	vld [tilespmem:s30+$0x19CF0];
	[tilespmem:s29+$0x1A910] =	vst v10;
	v2 =	vor.u32 v14, v2  }
0x60: {  	v10 =	vadd.s32 v34, v12;
	v35 =	vld [tilespmem:s30+$0x19010];
	[tilespmem:s29+$0x1A920] =	vst v2;
	v2 =	vshll.u32 v15, $0x7  }
0x61: {  	v9 =	vor.u32 v9, v10;
	v37 =	vshll.u32 v16, $0x7;
	v2 =	vadd.s32 v2, v8  }
0x62: {  	v5 =	vadd.s32 v37, v5;
	v40 =	vshll.u32 v18, $0x7;
	v36 =	vld [tilespmem:s30+$0x19020];
	[tilespmem:s29+$0x1A930] =	vst v9;
	v2 =	vor.u32 v6, v2  }
0x63: {  	v4 =	vadd.s32 v40, v4;
	v38 =	vld [tilespmem:s30+$0x19030];
	[tilespmem:s29+$0x1A940] =	vst v2;
	v2 =	vor.u32 v7, v5  }
0x64: {  	v43 =	vshrl.u32 v32, $0x7;
	v44 =	vand.u32 $0x7F, v32;
	v46 =	vand.u32 $0x7F, v22;
	v39 =	vld [tilespmem:s30+$0x19040];
	[tilespmem:s29+$0x1A950] =	vst v2  }
0x65: {  	v3 =	vor.u32 v3, v4;
	v8 =	vmul.u32 $0x28000, v43;
	v2 =	vshrl.u32 v22, $0x7;
	v41 =	vld [tilespmem:s30+$0x19050]  }
0x66: {  	v45 =	vshll.u32 v33, $0x7;
	v2 =	vmul.u32 $0x28000, v2;
	v42 =	vld [tilespmem:s30+$0x19060];
	[tilespmem:s29+$0x1A960] =	vst v3;
	v3 =	vshrl.u32 v35, $0x7  }
0x67: {  	v11 =	vand.u32 $0x7F, v35;
	v47 =	vld [tilespmem:s30+$0x19C80];
	v3 =	vmul.u32 $0x28000, v3;
	v49 =	vshrl.u32 v36, $0x7  }
0x68: {  	v48 =	vld [tilespmem:s30+$0x19C90];
	v10 =	vand.u32 $0x7F, v36;
	v2 =	vadd.s32 v45, v2;
	v50 =	vshrl.u32 v38, $0x7  }
0x69: {  	v51 =	vld [tilespmem:s30+$0x19CA0];
	v6 =	vand.u32 $0x7F, v38;
	v2 =	vor.u32 v46, v2;
	v15 =	vmul.u32 $0x28000, v50  }
0x6a: {  	v53 =	vld [tilespmem:s30+$0x19CB0];
	[tilespmem:s30+$0x1A970] =	vst v2;
	v2 =	vmul.u32 $0x28000, v49;
	v52 =	vshrl.u32 v39, $0x7;
	v5 =	vand.u32 $0x7F, v39  }
0x6b: {  	v55 =	vld [tilespmem:s30+$0x19CC0];
	v54 =	vshrl.u32 v41, $0x7;
	v16 =	vmul.u32 $0x28000, v52;
	v56 =	vshrl.u32 v42, $0x7  }
0x6c: {  	v57 =	vld [tilespmem:s30+$0x19CD0];
	v7 =	vand.u32 $0x7F, v41;
	v18 =	vmul.u32 $0x28000, v54;
	v13 =	vshll.u32 v47, $0x7  }
0x6d: {  	v58 =	vld [tilespmem:s30+$0x19CE0];
	v20 =	vmul.u32 $0x28000, v56;
	v12 =	vshll.u32 v48, $0x7;
	v8 =	vadd.s32 v13, v8  }
0x6e: {  	v59 =	vshll.u32 v51, $0x7;
	v3 =	vadd.s32 v12, v3;
	v8 =	vor.u32 v44, v8  }
0x6f: {  	v60 =	vshll.u32 v53, $0x7;
	v2 =	vadd.s32 v59, v2;
	v3 =	vor.u32 v11, v3;
	[tilespmem:s30+$0x1A900] =	vst v8  }
0x70: {  	v61 =	vshll.u32 v55, $0x7;
	v2 =	vor.u32 v10, v2;
	[tilespmem:s30+$0x1A910] =	vst v3;
	v3 =	vadd.s32 v60, v15  }
0x71: {  	v62 =	vshll.u32 v57, $0x7;
	[tilespmem:s30+$0x1A920] =	vst v2;
	v2 =	vor.u32 v6, v3;
	v3 =	vadd.s32 v61, v16  }
0x72: {  	v63 =	vshll.u32 v58, $0x7;
	[tilespmem:s30+$0x1A930] =	vst v2;
	v2 =	vor.u32 v5, v3;
	v3 =	vadd.s32 v62, v18  }
0x73: {  	v4 =	vand.u32 $0x7F, v42;
	[tilespmem:s30+$0x1A940] =	vst v2;
	v2 =	vor.u32 v7, v3;
	v3 =	vadd.s32 v63, v20  }
0x74: {  	[tilespmem:s30+$0x1A950] =	vst v2;
	v2 =	vor.u32 v4, v3  }
0x75: {  	[tilespmem:s30+$0x1A960] =	vst v2  }
0x76: {  	_ =	swait.ge [sflag:s20], $0x3200  }
0x77: {  	[sflag:s20] =	ssyncset.done $0x0  }
0x78: {  	[sflag:s20] =	ssyncadd.s32 $0xFFFFCE00  }
0x79: {  	_ =	swait.ge [sflag:s20], $0x3200  }
0x7a: {  	[sflag:s20] =	ssyncset.done $0x0  }
0x7b: {  	[sflag:s20] =	ssyncadd.s32 $0xFFFFCE00  }
0x7c: {  	_ =	swait.ge [sflag:s20], $0x3200  }
0x7d: {  	[sflag:s20] =	ssyncset.done $0x0  }
0x7e: {  	[sflag:s20] =	ssyncadd.s32 $0xFFFFCE00  }
0x7f: {  	_ =	swait.ge [sflag:s20], $0x3200  }
0x80: {  	[sflag:s20] =	ssyncset.done $0x0  }
0x81: {  	[sflag:s20] =	ssyncadd.s32 $0xFFFFCE00  }
0x82: {  	_ =	swait.ge [sflag:s20], $0x3200  }
0x83: {  	[sflag:s20] =	ssyncset.done $0x0  }
0x84: {  	[sflag:s20] =	ssyncadd.s32 $0xFFFFCE00  }
0x85: {  	_ =	swait.ge [sflag:s20], $0x3200  }
0x86: {  	[sflag:s20] =	ssyncset.done $0x0  }
0x87: {  	[sflag:s20] =	ssyncadd.s32 $0xFFFFCE00  }
0x88: {  	_ =	swait.ge [sflag:s20], $0x3200  }
0x89: {  	[sflag:s20] =	ssyncset.done $0x0  }
0x8a: {  	[sflag:s20] =	ssyncadd.s32 $0xFFFFCE00  }
0x8b: {  	_ =	swait.ge [sflag:s20], $0x3200  }
0x8c: {  	[sflag:s20] =	ssyncset.done $0x0  }
0x8d: {  	[sflag:s20] =	ssyncadd.s32 $0xFFFFCE00  }
0x8e: {  	s31 =	simm.s32 $0x1A900;
	[bflag:$0x0] =	sbarrier.arrive $0xFFFF  }
0x8f: {  	[spmem:s2] =	stream.indirect.scatter.add.f32 [tilespmem:s23], [sflag:$0x1], $0x1, s31, s21, $0xb8;
	[tilespmem:$0x1EB80] =	vst v63  }
0x90: {  	s30 =	simm.s32 $0x1A980  }
0x91: {  	[spmem:s2] =	stream.indirect.scatter.add.f32 [tilespmem:s23], [sflag:$0x1], $0x1, s30, s21, $0xb8;
	[tilespmem:$0x1EB80] =	vst v63  }
0x92: {  	s31 =	simm.s32 $0x1AA00  }
0x93: {  	[spmem:s2] =	stream.indirect.scatter.add.f32 [tilespmem:s23], [sflag:$0x1], $0x1, s31, s21, $0xb8;
	[tilespmem:$0x1EB80] =	vst v63  }
0x94: {  	s30 =	simm.s32 $0x1AA80  }
0x95: {  	[spmem:s2] =	stream.indirect.scatter.add.f32 [tilespmem:s23], [sflag:$0x1], $0x1, s30, s21, $0xb8;
	[tilespmem:$0x1EB80] =	vst v63  }
0x96: {  	s31 =	simm.s32 $0x1AB00  }
0x97: {  	[spmem:s2] =	stream.indirect.scatter.add.f32 [tilespmem:s23], [sflag:$0x1], $0x1, s31, s21, $0xb8;
	[tilespmem:$0x1EB80] =	vst v63  }
0x98: {  	s30 =	simm.s32 $0x1AB80  }
0x99: {  	[spmem:s2] =	stream.indirect.scatter.add.f32 [tilespmem:s23], [sflag:$0x1], $0x1, s30, s21, $0xb8;
	[tilespmem:$0x1EB80] =	vst v63  }
0x9a: {  	s31 =	simm.s32 $0x1AC00  }
0x9b: {  	[spmem:s2] =	stream.indirect.scatter.add.f32 [tilespmem:s23], [sflag:$0x1], $0x1, s31, s21, $0xb8;
	[tilespmem:$0x1EB80] =	vst v63  }
0x9c: {  	s30 =	simm.s32 $0x1AC80  }
0x9d: {  	[spmem:s2] =	stream.indirect.scatter.add.f32 [tilespmem:s23], [sflag:$0x1], $0x1, s30, s21, $0xb8;
	[tilespmem:$0x1EB80] =	vst v63  }
0x9e: {  	s31 =	simm.s32 $0x1AD00  }
0x9f: {  	[spmem:s2] =	stream.indirect.scatter.add.f32 [tilespmem:s23], [sflag:$0x1], $0x1, s31, s21, $0xb8;
	[tilespmem:$0x1EB80] =	vst v63  }
0xa0: {  	s30 =	simm.s32 $0x1AD80  }
0xa1: {  	[spmem:s2] =	stream.indirect.scatter.add.f32 [tilespmem:s23], [sflag:$0x1], $0x1, s30, s21, $0xb8;
	[tilespmem:$0x1EB80] =	vst v63  }
0xa2: {  	s31 =	simm.s32 $0x1AE00  }
0xa3: {  	[spmem:s2] =	stream.indirect.scatter.add.f32 [tilespmem:s23], [sflag:$0x1], $0x1, s31, s21, $0xb8;
	[tilespmem:$0x1EB80] =	vst v63  }
0xa4: {  	s30 =	simm.s32 $0x1AE80  }
0xa5: {  	[spmem:s2] =	stream.indirect.scatter.add.f32 [tilespmem:s23], [sflag:$0x1], $0x1, s30, s21, $0xb8;
	[tilespmem:$0x1EB80] =	vst v63  }
0xa6: {  	s31 =	simm.s32 $0x1AF00  }
0xa7: {  	[spmem:s2] =	stream.indirect.scatter.add.f32 [tilespmem:s23], [sflag:$0x1], $0x1, s31, s21, $0xb8;
	[tilespmem:$0x1EB80] =	vst v63  }
0xa8: {  	s30 =	simm.s32 $0x1AF80  }
0xa9: {  	[spmem:s2] =	stream.indirect.scatter.add.f32 [tilespmem:s23], [sflag:$0x1], $0x1, s30, s21, $0xb8;
	[tilespmem:$0x1EB80] =	vst v63  }
0xaa: {  	s31 =	simm.s32 $0x1B000  }
0xab: {  	[spmem:s2] =	stream.indirect.scatter.add.f32 [tilespmem:s23], [sflag:$0x1], $0x1, s31, s21, $0xb8;
	[tilespmem:$0x1EB80] =	vst v63  }
0xac: {  	s30 =	simm.s32 $0x1B080  }
0xad: {  	[spmem:s2] =	stream.indirect.scatter.add.f32 [tilespmem:s23], [sflag:$0x1], $0x1, s30, s21, $0xb8;
	[tilespmem:$0x1EB80] =	vst v63  }
0xae: {  	s31 =	simm.s32 $0x1B100  }
0xaf: {  	[spmem:s2] =	stream.indirect.scatter.add.f32 [tilespmem:s23], [sflag:$0x1], $0x1, s31, s21, $0xb8;
	[tilespmem:$0x1EB80] =	vst v63  }
0xb0: {  	s30 =	simm.s32 $0x1B180  }
0xb1: {  	[spmem:s2] =	stream.indirect.scatter.add.f32 [tilespmem:s23], [sflag:$0x1], $0x1, s30, s21, $0xb8;
	[tilespmem:$0x1EB80] =	vst v63  }
0xb2: {  	s31 =	simm.s32 $0x1B200  }
0xb3: {  	[spmem:s2] =	stream.indirect.scatter.add.f32 [tilespmem:s23], [sflag:$0x1], $0x1, s31, s21, $0xb8;
	[tilespmem:$0x1EB80] =	vst v63  }
0xb4: {  	_ = 	snop  }
0xb5: {  	[spmem:s2] =	stream.indirect.scatter.add.f32 [tilespmem:s23], [sflag:$0x1], $0x1, s0, s21, $0xb8;
	[tilespmem:$0x1EB80] =	vst v63  }
0xb6: {  	_ = 	snop  }
0xb7: {  	[spmem:s2] =	stream.indirect.scatter.add.f32 [tilespmem:s23], [sflag:$0x1], $0x1, s17, s21, $0xb8;
	[tilespmem:$0x1EB80] =	vst v63  }
0xb8: {  	_ = 	snop  }
0xb9: {  	[spmem:s2] =	stream.indirect.scatter.add.f32 [tilespmem:s23], [sflag:$0x1], $0x1, s18, s21, $0xb8;
	[tilespmem:$0x1EB80] =	vst v63  }
0xba: {  	_ = 	snop  }
0xbb: {  	[spmem:s2] =	stream.indirect.scatter.add.f32 [tilespmem:s23], [sflag:$0x1], $0x1, s22, s21, $0xb8;
	[tilespmem:$0x1EB80] =	vst v63  }
0xbc: {  	_ = 	snop  }
0xbd: {  	[spmem:s2] =	stream.indirect.scatter.add.f32 [tilespmem:s23], [sflag:$0x1], $0x1, s24, s21, $0xb8;
	[tilespmem:$0x1EB80] =	vst v63  }
0xbe: {  	_ = 	snop  }
0xbf: {  	[spmem:s2] =	stream.indirect.scatter.add.f32 [tilespmem:s23], [sflag:$0x1], $0x1, s25, s21, $0xb8;
	[tilespmem:$0x1EB80] =	vst v63  }
0xc0: {  	_ =	swait.ge [sflag:s19], $0x80  }
0xc1: {  	[sflag:s19] =	ssyncset.done $0x0  }
0xc2: {  	[sflag:s19] =	ssyncadd.s32 $0xFFFFFF80  }
0xc3: {  	_ =	swait.ge [sflag:s19], $0x80  }
0xc4: {  	[sflag:s19] =	ssyncset.done $0x0  }
0xc5: {  	[sflag:s19] =	ssyncadd.s32 $0xFFFFFF80  }
0xc6: {  	_ =	swait.ge [sflag:s19], $0x80  }
0xc7: {  	[sflag:s19] =	ssyncset.done $0x0  }
0xc8: {  	[sflag:s19] =	ssyncadd.s32 $0xFFFFFF80  }
0xc9: {  	_ =	swait.ge [sflag:s19], $0x80  }
0xca: {  	[sflag:s19] =	ssyncset.done $0x0  }
0xcb: {  	[sflag:s19] =	ssyncadd.s32 $0xFFFFFF80  }
0xcc: {  	_ =	swait.ge [sflag:s19], $0x80  }
0xcd: {  	[sflag:s19] =	ssyncset.done $0x0  }
0xce: {  	[sflag:s19] =	ssyncadd.s32 $0xFFFFFF80  }
0xcf: {  	_ =	swait.ge [sflag:s19], $0x80  }
0xd0: {  	[sflag:s19] =	ssyncset.done $0x0  }
0xd1: {  	[sflag:s19] =	ssyncadd.s32 $0xFFFFFF80  }
0xd2: {  	_ =	swait.ge [sflag:s19], $0x80  }
0xd3: {  	[sflag:s19] =	ssyncset.done $0x0  }
0xd4: {  	[sflag:s19] =	ssyncadd.s32 $0xFFFFFF80  }
0xd5: {  	_ =	swait.ge [sflag:s19], $0x80  }
0xd6: {  	[sflag:s19] =	ssyncset.done $0x0  }
0xd7: {  	[sflag:s19] =	ssyncadd.s32 $0xFFFFFF80  }
0xd8: {  	_ =	swait.ge [sflag:s19], $0x80  }
0xd9: {  	[sflag:s19] =	ssyncset.done $0x0  }
0xda: {  	[sflag:s19] =	ssyncadd.s32 $0xFFFFFF80  }
0xdb: {  	_ =	swait.ge [sflag:s19], $0x80  }
0xdc: {  	[sflag:s19] =	ssyncset.done $0x0  }
0xdd: {  	[sflag:s19] =	ssyncadd.s32 $0xFFFFFF80  }
0xde: {  	_ =	swait.ge [sflag:s19], $0x80  }
0xdf: {  	[sflag:s19] =	ssyncset.done $0x0  }
0xe0: {  	[sflag:s19] =	ssyncadd.s32 $0xFFFFFF80  }
0xe1: {  	_ =	swait.ge [sflag:s19], $0x80  }
0xe2: {  	[sflag:s19] =	ssyncset.done $0x0  }
0xe3: {  	[sflag:s19] =	ssyncadd.s32 $0xFFFFFF80  }
0xe4: {  	_ =	swait.ge [sflag:s19], $0x80  }
0xe5: {  	[sflag:s19] =	ssyncset.done $0x0  }
0xe6: {  	[sflag:s19] =	ssyncadd.s32 $0xFFFFFF80  }
0xe7: {  	_ =	swait.ge [sflag:s19], $0x80  }
0xe8: {  	[sflag:s19] =	ssyncset.done $0x0  }
0xe9: {  	[sflag:s19] =	ssyncadd.s32 $0xFFFFFF80  }
0xea: {  	_ =	swait.ge [sflag:s19], $0x80  }
0xeb: {  	[sflag:s19] =	ssyncset.done $0x0  }
0xec: {  	[sflag:s19] =	ssyncadd.s32 $0xFFFFFF80  }
0xed: {  	_ =	swait.ge [sflag:s19], $0x80  }
0xee: {  	[sflag:s19] =	ssyncset.done $0x0  }
0xef: {  	[sflag:s19] =	ssyncadd.s32 $0xFFFFFF80  }
0xf0: {  	_ =	swait.ge [sflag:s19], $0x80  }
0xf1: {  	[sflag:s19] =	ssyncset.done $0x0  }
0xf2: {  	[sflag:s19] =	ssyncadd.s32 $0xFFFFFF80  }
0xf3: {  	_ =	swait.ge [sflag:s19], $0x80  }
0xf4: {  	[sflag:s19] =	ssyncset.done $0x0  }
0xf5: {  	[sflag:s19] =	ssyncadd.s32 $0xFFFFFF80  }
0xf6: {  	_ =	swait.ge [sflag:s19], $0x80  }
0xf7: {  	[sflag:s19] =	ssyncset.done $0x0  }
0xf8: {  	[sflag:s19] =	ssyncadd.s32 $0xFFFFFF80  }
0xf9: {  	_ =	swait.ge [sflag:s19], $0x80  }
0xfa: {  	[sflag:s19] =	ssyncset.done $0x0  }
0xfb: {  	[sflag:s19] =	ssyncadd.s32 $0xFFFFFF80  }
0xfc: {  	_ =	swait.ge [sflag:s19], $0x80  }
0xfd: {  	[sflag:s19] =	ssyncset.done $0x0  }
0xfe: {  	[sflag:s19] =	ssyncadd.s32 $0xFFFFFF80  }
0xff: {  	_ =	swait.ge [sflag:s19], $0x80  }
0x100: {  	[sflag:s19] =	ssyncset.done $0x0  }
0x101: {  	[sflag:s19] =	ssyncadd.s32 $0xFFFFFF80  }
0x102: {  	_ =	swait.ge [sflag:s19], $0x80  }
0x103: {  	[sflag:s19] =	ssyncset.done $0x0  }
0x104: {  	[sflag:s19] =	ssyncadd.s32 $0xFFFFFF80  }
0x105: {  	_ =	swait.ge [sflag:s19], $0x80  }
0x106: {  	[sflag:s19] =	ssyncset.done $0x0  }
0x107: {  	[sflag:s19] =	ssyncadd.s32 $0xFFFFFF80  }
0x108: {  	s30 =	stileid.u32;
	_ =	swait.ge [sflag:s19], $0x80  }
0x109: {  	s3 =	sadd.s32 $0x1, s3;
	s29 =	sshll.u32 s30, $0x6;
	[sflag:s19] =	ssyncset.done $0x0  }
0x10a: {  	p0 =	sne.s32 s3, s15;
	s29 =	sor.u32 $0x1C03, s29;
	[sflag:s19] =	ssyncadd.s32 $0xFFFFFF80  }
.Ltmp2:
0x10b: {  	s31 =	sshrl.u32 s4, $0x3;
	[bflag:$0x0] =	sbarrier.arrive $0xFFFF;
	(pc) =	sbr.rel @p0 .LBB2_1-.Ltmp2, $4  }
0x10c: {  	[hbm:s14@s26], [sflag:s29] =	dma.strided [spmem:s31@s1], $0x3200, s19, $0x10   }
0x10d: {  	_ =	swait.ge [sflag:s28], $0x3200  }
0x10e: {  	[sflag:s28] =	ssyncset.done $0x0  }
0x10f: {  	[sflag:s28] =	ssyncadd.s32 $0xFFFFCE00  }
0x110: {  	_ =	sfence.sel $0x180000  }
0x111: {  	[bflag:$0x0] =	sbarrier.arrive $0xFFFF  }
0x112: {  	_ =	strace $0x90000047  }
0x113: {  	s0 =	stileid.u32;
	[bflag:$0x2] =	sbarrier.arrive $0xFFFF  }
0x114: {  	p0 =	sne.s32 s0, $0x0;
	s0 =	rddreg [dreg:$0x4]  }
0x115: {  	s0 =	sadd.s32 @!p0 $0x100000, s0  }
0x116: {  	[sflag:s0] =	ssyncadd.tile.s32 @!p0 $0x1;
	_ =	shalt  }
.Lfunc_end2:
_tile_overlayer_lowered:
.L_overlay_start_2:
0x117: {  	(tag) =	ssettag $0x2  }
0x118: {  	s0 =	rddreg [dreg:$0x0];
	s2 =	stileid.u32  }
0x119: {  	s1 =	rddreg [dreg:$0x1];
	p0 =	sne.s32 s2, $0x0  }
0x11a: {  	s3 =	rddreg [dreg:$0x2];
	[bflag:$0x3] =	sbarrier.arrive $0xFFFF;
	s2 =	simm.s32 @!p0 $0x1C03  }
0x11b: {  	[timem:s3], [sflag:s2] =	dma.local @!p0 [hbm:s0], s1  }
0x11c: {  	s0 =	simm.s32 @!p0 $0x3  }
0x11d: {  	_ =	swait.ge @!p0 [sflag:s0], s1  }
0x11e: {  	s1 =	ssub.s32 @!p0 $0x0, s1;
	[sflag:s0] =	ssyncset.done @!p0 $0x0  }
0x11f: {  	[sflag:s0] =	ssyncadd.s32 @!p0 s1  }
0x120: {  	[bflag:$0x3] =	sbarrier.arrive $0xFFFF  }
0x121: {  	_ =	shalt  }

</sc_bundles>
